<compile_context>
chip_gen: v7x
topology: tpu7x:2x2x1
jax: 0.10.2.dev20260603
libtpu: 0.0.44.dev20260713+nightly
codegen_flags: <defaults>
</compile_context>

<pallas_src>
import functools

import jax
import jax.numpy as jnp
from jax import lax
from jax.experimental import pallas as pl
from jax.experimental.pallas import tpu as pltpu
from jax.experimental.pallas import tpu_sc as plsc

N = 10000
D_IN = 128
H1 = 128
H2 = 64

NC = 2
NS = 16
NW = NC * NS
CHUNK = 128
KCH = 79
PER_W = KCH * CHUNK
E_PAD = NW * PER_W
N_PAD = 10240
ROWS_PER_TILE = N_PAD // NS
BLK = 1024
FBLK = 1000

_mesh = plsc.VectorSubcoreMesh(core_axis_name="c", subcore_axis_name="s")


@functools.partial(
    pl.kernel,
    out_type=jax.ShapeDtypeStruct((NC, N_PAD), jnp.float32),
    mesh=_mesh,
    scratch_types=[
        pltpu.VMEM_SHARED((N_PAD,), jnp.float32),
        pltpu.VMEM((CHUNK,), jnp.int32),
        pltpu.VMEM((CHUNK,), jnp.int32),
        pltpu.VMEM((CHUNK,), jnp.float32),
        pltpu.SemaphoreType.DMA,
        pltpu.SemaphoreType.DMA,
    ],
)
def _sc_degree(dst_hbm, zeros_hbm, out_hbm, acc_sh, db0, db1, ones_v, dsem0, dsem1):
    c = lax.axis_index("c")
    s = lax.axis_index("s")
    pltpu.sync_copy(zeros_hbm, acc_sh.at[pl.ds(s * ROWS_PER_TILE, ROWS_PER_TILE)])
    for i in range(CHUNK // 16):
        ones_v[pl.ds(i * 16, 16)] = jnp.ones((16,), jnp.float32)
    plsc.subcore_barrier()
    base = (c * NS + s) * PER_W
    dbufs = (db0, db1)
    dsems = (dsem0, dsem1)
    pltpu.async_copy(dst_hbm.at[pl.ds(pl.multiple_of(base, CHUNK), CHUNK)],
                     db0, dsem0)

    def step(j, carry):
        for b in range(2):
            k = 2 * j + 1 + b
            buf = (1 + b) % 2
            prev = 1 - buf
            off = pl.multiple_of(base + k * CHUNK, CHUNK)
            pltpu.async_copy(dst_hbm.at[pl.ds(off, CHUNK)], dbufs[buf],
                             dsems[buf])
            pltpu.make_async_copy(dst_hbm.at[pl.ds(off, CHUNK)], dbufs[prev],
                                  dsems[prev]).wait()
            pltpu.sync_copy(ones_v, acc_sh.at[dbufs[prev]], add=True)
        return carry

    lax.fori_loop(0, (KCH - 1) // 2, step, 0)
    off = pl.multiple_of(base, CHUNK)
    pltpu.make_async_copy(dst_hbm.at[pl.ds(off, CHUNK)], db0, dsem0).wait()
    pltpu.sync_copy(ones_v, acc_sh.at[db0], add=True)
    plsc.subcore_barrier()
    nb = pl.multiple_of(s * ROWS_PER_TILE, ROWS_PER_TILE)
    pltpu.sync_copy(acc_sh.at[pl.ds(nb, ROWS_PER_TILE)],
                    out_hbm.at[c, pl.ds(nb, ROWS_PER_TILE)])


K0 = 126
K1 = 32


@functools.partial(
    pl.kernel,
    out_type=jax.ShapeDtypeStruct((NC, N_PAD, D_IN), jnp.float32),
    mesh=_mesh,
    scratch_types=[
        pltpu.VMEM_SHARED((N_PAD, D_IN), jnp.float32),
        pltpu.VMEM((CHUNK,), jnp.int32),
        pltpu.VMEM((CHUNK,), jnp.int32),
        pltpu.VMEM((CHUNK,), jnp.int32),
        pltpu.VMEM((CHUNK,), jnp.int32),
        pltpu.VMEM((CHUNK, D_IN), jnp.float32),
        pltpu.VMEM((CHUNK, D_IN), jnp.float32),
        pltpu.SemaphoreType.DMA,
        pltpu.SemaphoreType.DMA,
    ],
)
def _sc_aggregate(src_hbm, dst_hbm, tab_hbm, zrows_hbm, out_hbm,
                  acc_sh, si0, si1, di0, di1, r0, r1, sem0, sem1):
    c = lax.axis_index("c")
    s = lax.axis_index("s")
    pltpu.sync_copy(zrows_hbm, acc_sh.at[pl.ds(s * ROWS_PER_TILE, ROWS_PER_TILE)])
    plsc.subcore_barrier()
    nk = jnp.where(c == 0, K0, K1)
    base = jnp.where(c == 0, s * K0, NS * K0 + s * K1) * CHUNK
    npairs = jnp.where(c == 0, (K0 - 2) // 2, (K1 - 2) // 2)
    sib = (si0, si1)
    dib = (di0, di1)
    rb = (r0, r1)
    sems = (sem0, sem1)

    off0 = pl.multiple_of(base, CHUNK)
    pltpu.sync_copy(src_hbm.at[pl.ds(off0, CHUNK)], si0)
    pltpu.sync_copy(dst_hbm.at[pl.ds(off0, CHUNK)], di0)
    pltpu.async_copy(tab_hbm.at[si0], r0, sem0)

    def pair(j, carry):
        for b in range(2):
            k = 2 * j + 1 + b
            buf = (1 + b) % 2
            prev = 1 - buf
            off = pl.multiple_of(base + k * CHUNK, CHUNK)
            pltpu.sync_copy(src_hbm.at[pl.ds(off, CHUNK)], sib[buf])
            pltpu.sync_copy(dst_hbm.at[pl.ds(off, CHUNK)], dib[buf])
            pltpu.async_copy(tab_hbm.at[sib[buf]], rb[buf], sems[buf])
            pltpu.make_async_copy(tab_hbm.at[sib[prev]], rb[prev], sems[prev]).wait()
            pltpu.sync_copy(rb[prev], acc_sh.at[dib[prev]], add=True)
        return carry

    lax.fori_loop(0, npairs, pair, 0)
    off_last = pl.multiple_of(base + (nk - 1) * CHUNK, CHUNK)
    pltpu.sync_copy(src_hbm.at[pl.ds(off_last, CHUNK)], si1)
    pltpu.sync_copy(dst_hbm.at[pl.ds(off_last, CHUNK)], di1)
    pltpu.async_copy(tab_hbm.at[si1], r1, sem1)
    pltpu.make_async_copy(tab_hbm.at[si0], r0, sem0).wait()
    pltpu.sync_copy(r0, acc_sh.at[di0], add=True)
    pltpu.make_async_copy(tab_hbm.at[si1], r1, sem1).wait()
    pltpu.sync_copy(r1, acc_sh.at[di1], add=True)
    plsc.subcore_barrier()
    nb = pl.multiple_of(s * ROWS_PER_TILE, ROWS_PER_TILE)
    pltpu.sync_copy(acc_sh.at[pl.ds(nb, ROWS_PER_TILE)],
                    out_hbm.at[c, pl.ds(nb, ROWS_PER_TILE)])


def _dinv_block(deg_ref, block_idx):
    d2 = deg_ref[...]
    degsum = d2[:, 0:1] + d2[:, 1:2] + 1.0
    row = lax.broadcasted_iota(jnp.int32, (BLK, 1), 0) + block_idx * BLK
    return jnp.where(row < N, lax.rsqrt(degsum), 0.0)


def _tc_first_body(deg_ref, x_ref, w_ref, o_ref):
    d2 = deg_ref[...]
    dinv = lax.rsqrt(d2[:, 0:1] + d2[:, 1:2] + 1.0)
    z = jnp.dot(x_ref[...], w_ref[...], preferred_element_type=jnp.float32)
    o_ref[...] = z * dinv


_tc_first = pl.pallas_call(
    _tc_first_body,
    grid=(N // FBLK,),
    in_specs=[
        pl.BlockSpec((FBLK, NC), lambda i: (i, 0)),
        pl.BlockSpec((FBLK, D_IN), lambda i: (i, 0)),
        pl.BlockSpec((D_IN, H1), lambda i: (0, 0)),
    ],
    out_specs=pl.BlockSpec((FBLK, H1), lambda i: (i, 0)),
    out_shape=jax.ShapeDtypeStruct((N_PAD, H1), jnp.float32),
)


def _tc_mid_body(deg_ref, p_ref, z_ref, b_ref, o_ref):
    dinv = _dinv_block(deg_ref, pl.program_id(0))
    sfull = p_ref[0] + p_ref[1] + z_ref[...]
    h = jnp.maximum(dinv * sfull + b_ref[...], 0.0)
    o_ref[...] = dinv * h


_tc_mid = pl.pallas_call(
    _tc_mid_body,
    grid=(N_PAD // BLK,),
    in_specs=[
        pl.BlockSpec((BLK, NC), lambda i: (i, 0)),
        pl.BlockSpec((NC, BLK, H1), lambda i: (0, i, 0)),
        pl.BlockSpec((BLK, H1), lambda i: (i, 0)),
        pl.BlockSpec((1, H1), lambda i: (0, 0)),
    ],
    out_specs=pl.BlockSpec((BLK, H1), lambda i: (i, 0)),
    out_shape=jax.ShapeDtypeStruct((N_PAD, H1), jnp.float32),
)


def _dinv_final(deg_ref, block_idx):
    d2 = deg_ref[...]
    degsum = d2[:, 0:1] + d2[:, 1:2] + 1.0
    row = lax.broadcasted_iota(jnp.int32, (FBLK, 1), 0) + block_idx * FBLK
    return jnp.where(row < N, lax.rsqrt(degsum), 0.0)


def _tc_final_body(deg_ref, q_ref, h_ref, wmu_ref, bmu_ref, wlv_ref, blv_ref,
                   mu_ref, lv_ref):
    dinv = _dinv_final(deg_ref, pl.program_id(0))
    g = dinv * (q_ref[0] + q_ref[1] + h_ref[...])
    mu_ref[...] = jnp.dot(g, wmu_ref[...], preferred_element_type=jnp.float32) + bmu_ref[...]
    lv_ref[...] = jnp.dot(g, wlv_ref[...], preferred_element_type=jnp.float32) + blv_ref[...]


_tc_final = pl.pallas_call(
    _tc_final_body,
    grid=(N // FBLK,),
    in_specs=[
        pl.BlockSpec((FBLK, NC), lambda i: (i, 0)),
        pl.BlockSpec((NC, FBLK, H1), lambda i: (0, i, 0)),
        pl.BlockSpec((FBLK, H1), lambda i: (i, 0)),
        pl.BlockSpec((H1, H2), lambda i: (0, 0)),
        pl.BlockSpec((1, H2), lambda i: (0, 0)),
        pl.BlockSpec((H1, H2), lambda i: (0, 0)),
        pl.BlockSpec((1, H2), lambda i: (0, 0)),
    ],
    out_specs=[
        pl.BlockSpec((FBLK, H2), lambda i: (i, 0)),
        pl.BlockSpec((FBLK, H2), lambda i: (i, 0)),
    ],
    out_shape=[
        jax.ShapeDtypeStruct((N, H2), jnp.float32),
        jax.ShapeDtypeStruct((N, H2), jnp.float32),
    ],
)


def kernel(x, edge_index, W1, b1, W_mu, b_mu, W_lv, b_lv):
    ei = edge_index.astype(jnp.int32)
    pad = jnp.full((E_PAD - ei.shape[1],), N, jnp.int32)
    src = jnp.concatenate([ei[0], pad])
    dst = jnp.concatenate([ei[1], pad])
    zrows = jnp.zeros((ROWS_PER_TILE, D_IN), jnp.float32)
    zdeg = jnp.zeros((ROWS_PER_TILE,), jnp.float32)

    deg2 = _sc_degree(dst, zdeg)
    degT = deg2.T
    zp = _tc_first(degT, x, W1)
    P = _sc_aggregate(src, dst, zp, zrows)
    hp = _tc_mid(degT, P, zp, b1.reshape(1, H1))
    Q = _sc_aggregate(src, dst, hp, zrows)
    mu, lv = _tc_final(degT, Q, hp, W_mu, b_mu.reshape(1, H2),
                       W_lv, b_lv.reshape(1, H2))
    return mu, lv

# --- scband reference (transcript-rebuilt; emitter-appended) ---
"""Pipeline reference for scband-hidden-gcnencoder-3513283248864 (READ-ONLY COPY).

The authoritative reference and input builder live on the scoring server;
editing this copy changes nothing except your own understanding.
"""

import jax, jax.numpy as jnp
import numpy as np

N = 10000
E = 320000
D_IN = 128
H1 = 128
H2 = 64


def _gcn_conv(x, edge_index, W, b):
    # Faithful PyG GCNConv: add self-loops, symmetric deg^-1/2 normalization,
    # linear transform, scatter-add aggregation, bias.
    n = x.shape[0]
    loop = jnp.arange(n, dtype=edge_index.dtype)
    src = jnp.concatenate([edge_index[0], loop])
    dst = jnp.concatenate([edge_index[1], loop])
    deg = jnp.zeros((n,), x.dtype).at[dst].add(1.0)
    dinv = jnp.where(deg > 0, jax.lax.rsqrt(deg), 0.0)
    norm = dinv[src] * dinv[dst]
    h = x @ W
    msg = h[src] * norm[:, None]
    out = jnp.zeros((n, W.shape[1]), x.dtype).at[dst].add(msg)
    return out + b


def setup_inputs(seed: int = 0):
    key = jax.random.key(seed)
    ks = jax.random.split(key, 8)
    x = jax.random.normal(ks[0], (N, D_IN), dtype=jnp.float32)
    edge_index = jax.random.randint(ks[1], (2, E), 0, N).astype(jnp.int64)
    W1 = jax.random.normal(ks[2], (D_IN, H1), dtype=jnp.float32) * (1.0 / np.sqrt(D_IN))
    b1 = jnp.zeros((H1,), jnp.float32)
    W_mu = jax.random.normal(ks[3], (H1, H2), dtype=jnp.float32) * (1.0 / np.sqrt(H1))
    b_mu = jnp.zeros((H2,), jnp.float32)
    W_lv = jax.random.normal(ks[4], (H1, H2), dtype=jnp.float32) * (1.0 / np.sqrt(H1))
    b_lv = jnp.zeros((H2,), jnp.float32)
    return {"x": x, "edge_index": edge_index, "W1": W1, "b1": b1,
            "W_mu": W_mu, "b_mu": b_mu, "W_lv": W_lv, "b_lv": b_lv}


def reference(x, edge_index, W1, b1, W_mu, b_mu, W_lv, b_lv):
    h = jax.nn.relu(_gcn_conv(x, edge_index, W1, b1))
    mu = _gcn_conv(h, edge_index, W_mu, b_mu)
    logvar = _gcn_conv(h, edge_index, W_lv, b_lv)
    return (mu, logvar)

if __name__ == "__main__":
    import jax
    _d = setup_inputs()
    print(jax.jit(kernel)(*tuple(_d.values())))

</pallas_src>

<mosaic_0001>
#map = affine_map<(d0, d1) -> (0)>
#map1 = affine_map<(d0, d1) -> (0, 0)>
module attributes {stable_mosaic.version = 14 : i64} {
  func.func @_sc_degree(%arg0: i32, %arg1: i32, %arg2: memref<323584xi32, #tpu.memory_space<hbm>>, %arg3: memref<640xf32, #tpu.memory_space<hbm>>, %arg4: memref<2x10240xf32, #tpu.memory_space<hbm>>, %arg5: memref<10240xf32, #tpu.memory_space<vmem_shared>>, %arg6: memref<128xi32, #tpu.memory_space<vmem>>, %arg7: memref<128xi32, #tpu.memory_space<vmem>>, %arg8: memref<128xf32, #tpu.memory_space<vmem>>, %arg9: memref<!tpu.dma_semaphore, #tpu.memory_space<semaphore_mem>>, %arg10: memref<!tpu.dma_semaphore, #tpu.memory_space<semaphore_mem>>) attributes {dimension_semantics = [#tpu.dimension_semantics<core_parallel>, #tpu.dimension_semantics<subcore_parallel>], iteration_bounds = array<i64: 2, 16>, scalar_prefetch = 0 : i64, scratch_operands = 6 : i64, tpu.core_type = #tpu.core_type<sc_vector_subcore>, window_params = [{transform_indices = #map}, {transform_indices = #map}, {transform_indices = #map1}]} {
    %mul3A = arith.constant 640 : i32
    %mul3A_0 = arith.muli %arg1, %mul3A : i32
    "tpu.region"() ({
      %run_scoped3A = tpu.sem_alloc : memref<!tpu.dma_semaphore, #tpu.memory_space<semaphore_mem>>
      %dma_start3A_63 = tpu.memref_slice %arg5[%mul3A_0] : memref<10240xf32, #tpu.memory_space<vmem_shared>> -> memref<640xf32, #tpu.memory_space<vmem_shared>>
      tpu.enqueue_dma source(%arg3 : memref<640xf32, #tpu.memory_space<hbm>>) target(%dma_start3A_63 : memref<640xf32, #tpu.memory_space<vmem_shared>>) target_semaphore(%run_scoped3A : memref<!tpu.dma_semaphore, #tpu.memory_space<semaphore_mem>>)
      %dma_wait3A_64 = tpu.memref_slice %arg5[%mul3A_0] : memref<10240xf32, #tpu.memory_space<vmem_shared>> -> memref<640xf32, #tpu.memory_space<vmem_shared>>
      tpu.wait_dma2 semaphore(%run_scoped3A : memref<!tpu.dma_semaphore, #tpu.memory_space<semaphore_mem>>) src(%arg3 : memref<640xf32, #tpu.memory_space<hbm>>) dst(%dma_wait3A_64 : memref<640xf32, #tpu.memory_space<vmem_shared>>)
      tpu.yield
    }) : () -> ()
    %broadcast_in_dim3A = arith.constant 1.000000e+00 : f32
    %broadcast_in_dim3A_1 = vector.broadcast %broadcast_in_dim3A : f32 to vector<16xf32>
    %swap3A = arith.constant 0 : index
    %swap3A_2 = tpu.vector_load %arg8[%swap3A] {strides = array<i32>} : memref<128xf32, #tpu.memory_space<vmem>>, vector<16xf32>,
    %swap3A_3 = vector.shape_cast %swap3A_2 : vector<16xf32> to vector<16xf32>
    %swap3A_4 = vector.shape_cast %broadcast_in_dim3A_1 : vector<16xf32> to vector<16xf32>
    tpu.vector_store %arg8[%swap3A], %swap3A_4 {strides = array<i32>} : memref<128xf32, #tpu.memory_space<vmem>>, vector<16xf32>,
    %broadcast_in_dim3A_5 = arith.constant 1.000000e+00 : f32
    %broadcast_in_dim3A_6 = vector.broadcast %broadcast_in_dim3A_5 : f32 to vector<16xf32>
    %swap3A_7 = arith.constant 16 : index
    %swap3A_8 = tpu.vector_load %arg8[%swap3A_7] {strides = array<i32>} : memref<128xf32, #tpu.memory_space<vmem>>, vector<16xf32>,
    %swap3A_9 = vector.shape_cast %swap3A_8 : vector<16xf32> to vector<16xf32>
    %swap3A_10 = vector.shape_cast %broadcast_in_dim3A_6 : vector<16xf32> to vector<16xf32>
    tpu.vector_store %arg8[%swap3A_7], %swap3A_10 {strides = array<i32>} : memref<128xf32, #tpu.memory_space<vmem>>, vector<16xf32>,
    %broadcast_in_dim3A_11 = arith.constant 1.000000e+00 : f32
    %broadcast_in_dim3A_12 = vector.broadcast %broadcast_in_dim3A_11 : f32 to vector<16xf32>
    %swap3A_13 = arith.constant 32 : index
    %swap3A_14 = tpu.vector_load %arg8[%swap3A_13] {strides = array<i32>} : memref<128xf32, #tpu.memory_space<vmem>>, vector<16xf32>,
    %swap3A_15 = vector.shape_cast %swap3A_14 : vector<16xf32> to vector<16xf32>
    %swap3A_16 = vector.shape_cast %broadcast_in_dim3A_12 : vector<16xf32> to vector<16xf32>
    tpu.vector_store %arg8[%swap3A_13], %swap3A_16 {strides = array<i32>} : memref<128xf32, #tpu.memory_space<vmem>>, vector<16xf32>,
    %broadcast_in_dim3A_17 = arith.constant 1.000000e+00 : f32
    %broadcast_in_dim3A_18 = vector.broadcast %broadcast_in_dim3A_17 : f32 to vector<16xf32>
    %swap3A_19 = arith.constant 48 : index
    %swap3A_20 = tpu.vector_load %arg8[%swap3A_19] {strides = array<i32>} : memref<128xf32, #tpu.memory_space<vmem>>, vector<16xf32>,
    %swap3A_21 = vector.shape_cast %swap3A_20 : vector<16xf32> to vector<16xf32>
    %swap3A_22 = vector.shape_cast %broadcast_in_dim3A_18 : vector<16xf32> to vector<16xf32>
    tpu.vector_store %arg8[%swap3A_19], %swap3A_22 {strides = array<i32>} : memref<128xf32, #tpu.memory_space<vmem>>, vector<16xf32>,
    %broadcast_in_dim3A_23 = arith.constant 1.000000e+00 : f32
    %broadcast_in_dim3A_24 = vector.broadcast %broadcast_in_dim3A_23 : f32 to vector<16xf32>
    %swap3A_25 = arith.constant 64 : index
    %swap3A_26 = tpu.vector_load %arg8[%swap3A_25] {strides = array<i32>} : memref<128xf32, #tpu.memory_space<vmem>>, vector<16xf32>,
    %swap3A_27 = vector.shape_cast %swap3A_26 : vector<16xf32> to vector<16xf32>
    %swap3A_28 = vector.shape_cast %broadcast_in_dim3A_24 : vector<16xf32> to vector<16xf32>
    tpu.vector_store %arg8[%swap3A_25], %swap3A_28 {strides = array<i32>} : memref<128xf32, #tpu.memory_space<vmem>>, vector<16xf32>,
    %broadcast_in_dim3A_29 = arith.constant 1.000000e+00 : f32
    %broadcast_in_dim3A_30 = vector.broadcast %broadcast_in_dim3A_29 : f32 to vector<16xf32>
    %swap3A_31 = arith.constant 80 : index
    %swap3A_32 = tpu.vector_load %arg8[%swap3A_31] {strides = array<i32>} : memref<128xf32, #tpu.memory_space<vmem>>, vector<16xf32>,
    %swap3A_33 = vector.shape_cast %swap3A_32 : vector<16xf32> to vector<16xf32>
    %swap3A_34 = vector.shape_cast %broadcast_in_dim3A_30 : vector<16xf32> to vector<16xf32>
    tpu.vector_store %arg8[%swap3A_31], %swap3A_34 {strides = array<i32>} : memref<128xf32, #tpu.memory_space<vmem>>, vector<16xf32>,
    %broadcast_in_dim3A_35 = arith.constant 1.000000e+00 : f32
    %broadcast_in_dim3A_36 = vector.broadcast %broadcast_in_dim3A_35 : f32 to vector<16xf32>
    %swap3A_37 = arith.constant 96 : index
    %swap3A_38 = tpu.vector_load %arg8[%swap3A_37] {strides = array<i32>} : memref<128xf32, #tpu.memory_space<vmem>>, vector<16xf32>,
    %swap3A_39 = vector.shape_cast %swap3A_38 : vector<16xf32> to vector<16xf32>
    %swap3A_40 = vector.shape_cast %broadcast_in_dim3A_36 : vector<16xf32> to vector<16xf32>
    tpu.vector_store %arg8[%swap3A_37], %swap3A_40 {strides = array<i32>} : memref<128xf32, #tpu.memory_space<vmem>>, vector<16xf32>,
    %broadcast_in_dim3A_41 = arith.constant 1.000000e+00 : f32
    %broadcast_in_dim3A_42 = vector.broadcast %broadcast_in_dim3A_41 : f32 to vector<16xf32>
    %swap3A_43 = arith.constant 112 : index
    %swap3A_44 = tpu.vector_load %arg8[%swap3A_43] {strides = array<i32>} : memref<128xf32, #tpu.memory_space<vmem>>, vector<16xf32>,
    %swap3A_45 = vector.shape_cast %swap3A_44 : vector<16xf32> to vector<16xf32>
    %swap3A_46 = vector.shape_cast %broadcast_in_dim3A_42 : vector<16xf32> to vector<16xf32>
    tpu.vector_store %arg8[%swap3A_43], %swap3A_46 {strides = array<i32>} : memref<128xf32, #tpu.memory_space<vmem>>, vector<16xf32>,
    %barrier3A = arith.constant 0 : index
    tpu.barrier barrier_id(%barrier3A)
    %mul3A_47 = arith.constant 16 : i32
    %mul3A_48 = arith.muli %arg0, %mul3A_47 : i32
    %add3A = arith.addi %mul3A_48, %arg1 : i32
    %mul3A_49 = arith.constant 10112 : i32
    %mul3A_50 = arith.muli %add3A, %mul3A_49 : i32
    %multiple_of3A = tpu.assume_multiple %mul3A_50, 128 : i32
    %dma_start3A = tpu.memref_slice %arg2[%multiple_of3A] : memref<323584xi32, #tpu.memory_space<hbm>> -> memref<128xi32, #tpu.memory_space<hbm>>
    %dma_start3A_51 = tpu.memref_slice %arg2[%multiple_of3A] : memref<323584xi32, #tpu.memory_space<hbm>> -> memref<128xi32, #tpu.memory_space<hbm>>
    tpu.enqueue_dma source(%dma_start3A_51 : memref<128xi32, #tpu.memory_space<hbm>>) target(%arg6 : memref<128xi32, #tpu.memory_space<vmem>>) target_semaphore(%arg9 : memref<!tpu.dma_semaphore, #tpu.memory_space<semaphore_mem>>)
    %scan3A = arith.constant 0 : i32
    %scan3A_52 = arith.constant 0 : i32
    %scan3A_53 = arith.constant 39 : i32
    %scan3A_54 = arith.addi %scan3A_52, %scan3A_53 : i32
    %scan3A_55 = arith.constant 1 : i32
    scf.for %scan3A_63 = %scan3A_52 to %scan3A_54 step %scan3A_55  : i32 {
      %mul3A_64 = arith.constant 2 : i32
      %mul3A_65 = arith.muli %mul3A_64, %scan3A_63 : i32
      %add3A_66 = arith.constant 1 : i32
      %add3A_67 = arith.addi %mul3A_65, %add3A_66 : i32
      %add3A_68 = arith.constant 0 : i32
      %add3A_69 = arith.addi %add3A_67, %add3A_68 : i32
      %mul3A_70 = arith.constant 128 : i32
      %mul3A_71 = arith.muli %add3A_69, %mul3A_70 : i32
      %add3A_72 = arith.addi %mul3A_50, %mul3A_71 : i32
      %multiple_of3A_73 = tpu.assume_multiple %add3A_72, 128 : i32
      %dma_start3A_74 = tpu.memref_slice %arg2[%multiple_of3A_73] : memref<323584xi32, #tpu.memory_space<hbm>> -> memref<128xi32, #tpu.memory_space<hbm>>
      %dma_start3A_75 = tpu.memref_slice %arg2[%multiple_of3A_73] : memref<323584xi32, #tpu.memory_space<hbm>> -> memref<128xi32, #tpu.memory_space<hbm>>
      tpu.enqueue_dma source(%dma_start3A_75 : memref<128xi32, #tpu.memory_space<hbm>>) target(%arg7 : memref<128xi32, #tpu.memory_space<vmem>>) target_semaphore(%arg10 : memref<!tpu.dma_semaphore, #tpu.memory_space<semaphore_mem>>)
      %dma_wait3A_76 = tpu.memref_slice %arg2[%multiple_of3A_73] : memref<323584xi32, #tpu.memory_space<hbm>> -> memref<128xi32, #tpu.memory_space<hbm>>
      %dma_wait3A_77 = tpu.memref_slice %arg2[%multiple_of3A_73] : memref<323584xi32, #tpu.memory_space<hbm>> -> memref<128xi32, #tpu.memory_space<hbm>>
      tpu.wait_dma2 semaphore(%arg9 : memref<!tpu.dma_semaphore, #tpu.memory_space<semaphore_mem>>) src(%dma_wait3A_77 : memref<128xi32, #tpu.memory_space<hbm>>) dst(%arg6 : memref<128xi32, #tpu.memory_space<vmem>>)
      "tpu.region"() ({
        %run_scoped3A = tpu.sem_alloc : memref<!tpu.dma_semaphore, #tpu.memory_space<semaphore_mem>>
        %dma_start3A_92 = arith.constant 0 : i32
        %dma_start3A_93 = tpu.memref_slice %arg5[%dma_start3A_92] : memref<10240xf32, #tpu.memory_space<vmem_shared>> -> memref<10240xf32, #tpu.memory_space<vmem_shared>>
        tpu.enqueue_indirect_dma source(%arg8 : memref<128xf32, #tpu.memory_space<vmem>>) target(%dma_start3A_93 : memref<10240xf32, #tpu.memory_space<vmem_shared>>) offsets(%arg6 : memref<128xi32, #tpu.memory_space<vmem>>) semaphore(%run_scoped3A : memref<!tpu.dma_semaphore, #tpu.memory_space<semaphore_mem>>) {add = true}
        %dma_wait3A_94 = arith.constant 0 : i32
        %dma_wait3A_95 = tpu.memref_slice %arg5[%dma_wait3A_94] : memref<10240xf32, #tpu.memory_space<vmem_shared>> -> memref<10240xf32, #tpu.memory_space<vmem_shared>>
        tpu.wait_indirect_dma semaphore(%run_scoped3A : memref<!tpu.dma_semaphore, #tpu.memory_space<semaphore_mem>>) src(%arg8 : memref<128xf32, #tpu.memory_space<vmem>>) dst(%dma_wait3A_95 : memref<10240xf32, #tpu.memory_space<vmem_shared>>)
        tpu.yield
      }) : () -> ()
      %mul3A_78 = arith.constant 2 : i32
      %mul3A_79 = arith.muli %mul3A_78, %scan3A_63 : i32
      %add3A_80 = arith.constant 1 : i32
      %add3A_81 = arith.addi %mul3A_79, %add3A_80 : i32
      %add3A_82 = arith.constant 1 : i32
      %add3A_83 = arith.addi %add3A_81, %add3A_82 : i32
      %mul3A_84 = arith.constant 128 : i32
      %mul3A_85 = arith.muli %add3A_83, %mul3A_84 : i32
      %add3A_86 = arith.addi %mul3A_50, %mul3A_85 : i32
      %multiple_of3A_87 = tpu.assume_multiple %add3A_86, 128 : i32
      %dma_start3A_88 = tpu.memref_slice %arg2[%multiple_of3A_87] : memref<323584xi32, #tpu.memory_space<hbm>> -> memref<128xi32, #tpu.memory_space<hbm>>
      %dma_start3A_89 = tpu.memref_slice %arg2[%multiple_of3A_87] : memref<323584xi32, #tpu.memory_space<hbm>> -> memref<128xi32, #tpu.memory_space<hbm>>
      tpu.enqueue_dma source(%dma_start3A_89 : memref<128xi32, #tpu.memory_space<hbm>>) target(%arg6 : memref<128xi32, #tpu.memory_space<vmem>>) target_semaphore(%arg9 : memref<!tpu.dma_semaphore, #tpu.memory_space<semaphore_mem>>)
      %dma_wait3A_90 = tpu.memref_slice %arg2[%multiple_of3A_87] : memref<323584xi32, #tpu.memory_space<hbm>> -> memref<128xi32, #tpu.memory_space<hbm>>
      %dma_wait3A_91 = tpu.memref_slice %arg2[%multiple_of3A_87] : memref<323584xi32, #tpu.memory_space<hbm>> -> memref<128xi32, #tpu.memory_space<hbm>>
      tpu.wait_dma2 semaphore(%arg10 : memref<!tpu.dma_semaphore, #tpu.memory_space<semaphore_mem>>) src(%dma_wait3A_91 : memref<128xi32, #tpu.memory_space<hbm>>) dst(%arg7 : memref<128xi32, #tpu.memory_space<vmem>>)
      "tpu.region"() ({
        %run_scoped3A = tpu.sem_alloc : memref<!tpu.dma_semaphore, #tpu.memory_space<semaphore_mem>>
        %dma_start3A_92 = arith.constant 0 : i32
        %dma_start3A_93 = tpu.memref_slice %arg5[%dma_start3A_92] : memref<10240xf32, #tpu.memory_space<vmem_shared>> -> memref<10240xf32, #tpu.memory_space<vmem_shared>>
        tpu.enqueue_indirect_dma source(%arg8 : memref<128xf32, #tpu.memory_space<vmem>>) target(%dma_start3A_93 : memref<10240xf32, #tpu.memory_space<vmem_shared>>) offsets(%arg7 : memref<128xi32, #tpu.memory_space<vmem>>) semaphore(%run_scoped3A : memref<!tpu.dma_semaphore, #tpu.memory_space<semaphore_mem>>) {add = true}
        %dma_wait3A_94 = arith.constant 0 : i32
        %dma_wait3A_95 = tpu.memref_slice %arg5[%dma_wait3A_94] : memref<10240xf32, #tpu.memory_space<vmem_shared>> -> memref<10240xf32, #tpu.memory_space<vmem_shared>>
        tpu.wait_indirect_dma semaphore(%run_scoped3A : memref<!tpu.dma_semaphore, #tpu.memory_space<semaphore_mem>>) src(%arg8 : memref<128xf32, #tpu.memory_space<vmem>>) dst(%dma_wait3A_95 : memref<10240xf32, #tpu.memory_space<vmem_shared>>)
        tpu.yield
      }) : () -> ()
    }
    %scan3A_56 = arith.constant 39 : i32
    %multiple_of3A_57 = tpu.assume_multiple %mul3A_50, 128 : i32
    %dma_wait3A = tpu.memref_slice %arg2[%multiple_of3A_57] : memref<323584xi32, #tpu.memory_space<hbm>> -> memref<128xi32, #tpu.memory_space<hbm>>
    %dma_wait3A_58 = tpu.memref_slice %arg2[%multiple_of3A_57] : memref<323584xi32, #tpu.memory_space<hbm>> -> memref<128xi32, #tpu.memory_space<hbm>>
    tpu.wait_dma2 semaphore(%arg9 : memref<!tpu.dma_semaphore, #tpu.memory_space<semaphore_mem>>) src(%dma_wait3A_58 : memref<128xi32, #tpu.memory_space<hbm>>) dst(%arg6 : memref<128xi32, #tpu.memory_space<vmem>>)
    "tpu.region"() ({
      %run_scoped3A = tpu.sem_alloc : memref<!tpu.dma_semaphore, #tpu.memory_space<semaphore_mem>>
      %dma_start3A_63 = arith.constant 0 : i32
      %dma_start3A_64 = tpu.memref_slice %arg5[%dma_start3A_63] : memref<10240xf32, #tpu.memory_space<vmem_shared>> -> memref<10240xf32, #tpu.memory_space<vmem_shared>>
      tpu.enqueue_indirect_dma source(%arg8 : memref<128xf32, #tpu.memory_space<vmem>>) target(%dma_start3A_64 : memref<10240xf32, #tpu.memory_space<vmem_shared>>) offsets(%arg6 : memref<128xi32, #tpu.memory_space<vmem>>) semaphore(%run_scoped3A : memref<!tpu.dma_semaphore, #tpu.memory_space<semaphore_mem>>) {add = true}
      %dma_wait3A_65 = arith.constant 0 : i32
      %dma_wait3A_66 = tpu.memref_slice %arg5[%dma_wait3A_65] : memref<10240xf32, #tpu.memory_space<vmem_shared>> -> memref<10240xf32, #tpu.memory_space<vmem_shared>>
      tpu.wait_indirect_dma semaphore(%run_scoped3A : memref<!tpu.dma_semaphore, #tpu.memory_space<semaphore_mem>>) src(%arg8 : memref<128xf32, #tpu.memory_space<vmem>>) dst(%dma_wait3A_66 : memref<10240xf32, #tpu.memory_space<vmem_shared>>)
      tpu.yield
    }) : () -> ()
    %barrier3A_59 = arith.constant 0 : index
    tpu.barrier barrier_id(%barrier3A_59)
    %mul3A_60 = arith.constant 640 : i32
    %mul3A_61 = arith.muli %arg1, %mul3A_60 : i32
    %multiple_of3A_62 = tpu.assume_multiple %mul3A_61, 640 : i32
    "tpu.region"() ({
      %run_scoped3A = tpu.sem_alloc : memref<!tpu.dma_semaphore, #tpu.memory_space<semaphore_mem>>
      %dma_start3A_63 = tpu.memref_slice %arg4[%arg0, %multiple_of3A_62] : memref<2x10240xf32, #tpu.memory_space<hbm>> -> memref<1x640xf32, #tpu.memory_space<hbm>>
      %dma_start3A_64 = tpu.memref_squeeze %dma_start3A_63 : memref<1x640xf32, #tpu.memory_space<hbm>> -> memref<640xf32, #tpu.memory_space<hbm>>
      %dma_start3A_65 = tpu.memref_slice %arg5[%multiple_of3A_62] : memref<10240xf32, #tpu.memory_space<vmem_shared>> -> memref<640xf32, #tpu.memory_space<vmem_shared>>
      tpu.enqueue_dma source(%dma_start3A_65 : memref<640xf32, #tpu.memory_space<vmem_shared>>) target(%dma_start3A_64 : memref<640xf32, #tpu.memory_space<hbm>>) target_semaphore(%run_scoped3A : memref<!tpu.dma_semaphore, #tpu.memory_space<semaphore_mem>>)
      %dma_wait3A_66 = tpu.memref_slice %arg4[%arg0, %multiple_of3A_62] : memref<2x10240xf32, #tpu.memory_space<hbm>> -> memref<1x640xf32, #tpu.memory_space<hbm>>
      %dma_wait3A_67 = tpu.memref_squeeze %dma_wait3A_66 : memref<1x640xf32, #tpu.memory_space<hbm>> -> memref<640xf32, #tpu.memory_space<hbm>>
      %dma_wait3A_68 = tpu.memref_slice %arg5[%multiple_of3A_62] : memref<10240xf32, #tpu.memory_space<vmem_shared>> -> memref<640xf32, #tpu.memory_space<vmem_shared>>
      tpu.wait_dma2 semaphore(%run_scoped3A : memref<!tpu.dma_semaphore, #tpu.memory_space<semaphore_mem>>) src(%dma_wait3A_68 : memref<640xf32, #tpu.memory_space<vmem_shared>>) dst(%dma_wait3A_67 : memref<640xf32, #tpu.memory_space<hbm>>)
      tpu.yield
    }) : () -> ()
    return
  }
}

#map = affine_map<(d0, d1) -> (0)>
#map1 = affine_map<(d0, d1) -> (0, 0)>
#map2 = affine_map<(d0, d1) -> (0, 0, 0)>
module attributes {stable_mosaic.version = 14 : i64} {
  func.func @_sc_aggregate(%arg0: i32, %arg1: i32, %arg2: memref<323584xi32, #tpu.memory_space<hbm>>, %arg3: memref<323584xi32, #tpu.memory_space<hbm>>, %arg4: memref<10240x128xf32, #tpu.memory_space<hbm>>, %arg5: memref<640x128xf32, #tpu.memory_space<hbm>>, %arg6: memref<2x10240x128xf32, #tpu.memory_space<hbm>>, %arg7: memref<10240x128xf32, #tpu.memory_space<vmem_shared>>, %arg8: memref<128xi32, #tpu.memory_space<vmem>>, %arg9: memref<128xi32, #tpu.memory_space<vmem>>, %arg10: memref<128xi32, #tpu.memory_space<vmem>>, %arg11: memref<128xi32, #tpu.memory_space<vmem>>, %arg12: memref<128x128xf32, #tpu.memory_space<vmem>>, %arg13: memref<128x128xf32, #tpu.memory_space<vmem>>, %arg14: memref<!tpu.dma_semaphore, #tpu.memory_space<semaphore_mem>>, %arg15: memref<!tpu.dma_semaphore, #tpu.memory_space<semaphore_mem>>) attributes {dimension_semantics = [#tpu.dimension_semantics<core_parallel>, #tpu.dimension_semantics<subcore_parallel>], iteration_bounds = array<i64: 2, 16>, scalar_prefetch = 0 : i64, scratch_operands = 9 : i64, tpu.core_type = #tpu.core_type<sc_vector_subcore>, window_params = [{transform_indices = #map}, {transform_indices = #map}, {transform_indices = #map1}, {transform_indices = #map1}, {transform_indices = #map2}]} {
    %mul3A = arith.constant 640 : i32
    %mul3A_0 = arith.muli %arg1, %mul3A : i32
    "tpu.region"() ({
      %run_scoped3A = tpu.sem_alloc : memref<!tpu.dma_semaphore, #tpu.memory_space<semaphore_mem>>
      %dma_start3A_46 = arith.constant 0 : i32
      %dma_start3A_47 = tpu.memref_slice %arg7[%mul3A_0, %dma_start3A_46] : memref<10240x128xf32, #tpu.memory_space<vmem_shared>> -> memref<640x128xf32, #tpu.memory_space<vmem_shared>>
      tpu.enqueue_dma source(%arg5 : memref<640x128xf32, #tpu.memory_space<hbm>>) target(%dma_start3A_47 : memref<640x128xf32, #tpu.memory_space<vmem_shared>>) target_semaphore(%run_scoped3A : memref<!tpu.dma_semaphore, #tpu.memory_space<semaphore_mem>>)
      %dma_wait3A_48 = arith.constant 0 : i32
      %dma_wait3A_49 = tpu.memref_slice %arg7[%mul3A_0, %dma_wait3A_48] : memref<10240x128xf32, #tpu.memory_space<vmem_shared>> -> memref<640x128xf32, #tpu.memory_space<vmem_shared>>
      tpu.wait_dma2 semaphore(%run_scoped3A : memref<!tpu.dma_semaphore, #tpu.memory_space<semaphore_mem>>) src(%arg5 : memref<640x128xf32, #tpu.memory_space<hbm>>) dst(%dma_wait3A_49 : memref<640x128xf32, #tpu.memory_space<vmem_shared>>)
      tpu.yield
    }) : () -> ()
    %barrier3A = arith.constant 0 : index
    tpu.barrier barrier_id(%barrier3A)
    %eq3A = arith.constant 0 : i32
    %eq3A_1 = arith.cmpi eq, %arg0, %eq3A : i32
    %jit3A = arith.constant 126 : i32
    %jit3A_2 = arith.constant 32 : i32
    %select_n3A = arith.select %eq3A_1, %jit3A, %jit3A_2 : i32
    %eq3A_3 = arith.constant 0 : i32
    %eq3A_4 = arith.cmpi eq, %arg0, %eq3A_3 : i32
    %mul3A_5 = arith.constant 126 : i32
    %mul3A_6 = arith.muli %arg1, %mul3A_5 : i32
    %mul3A_7 = arith.constant 32 : i32
    %mul3A_8 = arith.muli %arg1, %mul3A_7 : i32
    %add3A = arith.constant 2016 : i32
    %add3A_9 = arith.addi %add3A, %mul3A_8 : i32
    %select_n3A_10 = arith.select %eq3A_4, %mul3A_6, %add3A_9 : i32
    %mul3A_11 = arith.constant 128 : i32
    %mul3A_12 = arith.muli %select_n3A_10, %mul3A_11 : i32
    %eq3A_13 = arith.constant 0 : i32
    %eq3A_14 = arith.cmpi eq, %arg0, %eq3A_13 : i32
    %jit3A_15 = arith.constant 62 : i32
    %jit3A_16 = arith.constant 15 : i32
    %select_n3A_17 = arith.select %eq3A_14, %jit3A_15, %jit3A_16 : i32
    %multiple_of3A = tpu.assume_multiple %mul3A_12, 128 : i32
    "tpu.region"() ({
      %run_scoped3A = tpu.sem_alloc : memref<!tpu.dma_semaphore, #tpu.memory_space<semaphore_mem>>
      %dma_start3A_46 = tpu.memref_slice %arg2[%multiple_of3A] : memref<323584xi32, #tpu.memory_space<hbm>> -> memref<128xi32, #tpu.memory_space<hbm>>
      %dma_start3A_47 = tpu.memref_slice %arg2[%multiple_of3A] : memref<323584xi32, #tpu.memory_space<hbm>> -> memref<128xi32, #tpu.memory_space<hbm>>
      tpu.enqueue_dma source(%dma_start3A_47 : memref<128xi32, #tpu.memory_space<hbm>>) target(%arg8 : memref<128xi32, #tpu.memory_space<vmem>>) target_semaphore(%run_scoped3A : memref<!tpu.dma_semaphore, #tpu.memory_space<semaphore_mem>>)
      %dma_wait3A_48 = tpu.memref_slice %arg2[%multiple_of3A] : memref<323584xi32, #tpu.memory_space<hbm>> -> memref<128xi32, #tpu.memory_space<hbm>>
      %dma_wait3A_49 = tpu.memref_slice %arg2[%multiple_of3A] : memref<323584xi32, #tpu.memory_space<hbm>> -> memref<128xi32, #tpu.memory_space<hbm>>
      tpu.wait_dma2 semaphore(%run_scoped3A : memref<!tpu.dma_semaphore, #tpu.memory_space<semaphore_mem>>) src(%dma_wait3A_49 : memref<128xi32, #tpu.memory_space<hbm>>) dst(%arg8 : memref<128xi32, #tpu.memory_space<vmem>>)
      tpu.yield
    }) : () -> ()
    "tpu.region"() ({
      %run_scoped3A = tpu.sem_alloc : memref<!tpu.dma_semaphore, #tpu.memory_space<semaphore_mem>>
      %dma_start3A_46 = tpu.memref_slice %arg3[%multiple_of3A] : memref<323584xi32, #tpu.memory_space<hbm>> -> memref<128xi32, #tpu.memory_space<hbm>>
      %dma_start3A_47 = tpu.memref_slice %arg3[%multiple_of3A] : memref<323584xi32, #tpu.memory_space<hbm>> -> memref<128xi32, #tpu.memory_space<hbm>>
      tpu.enqueue_dma source(%dma_start3A_47 : memref<128xi32, #tpu.memory_space<hbm>>) target(%arg10 : memref<128xi32, #tpu.memory_space<vmem>>) target_semaphore(%run_scoped3A : memref<!tpu.dma_semaphore, #tpu.memory_space<semaphore_mem>>)
      %dma_wait3A_48 = tpu.memref_slice %arg3[%multiple_of3A] : memref<323584xi32, #tpu.memory_space<hbm>> -> memref<128xi32, #tpu.memory_space<hbm>>
      %dma_wait3A_49 = tpu.memref_slice %arg3[%multiple_of3A] : memref<323584xi32, #tpu.memory_space<hbm>> -> memref<128xi32, #tpu.memory_space<hbm>>
      tpu.wait_dma2 semaphore(%run_scoped3A : memref<!tpu.dma_semaphore, #tpu.memory_space<semaphore_mem>>) src(%dma_wait3A_49 : memref<128xi32, #tpu.memory_space<hbm>>) dst(%arg10 : memref<128xi32, #tpu.memory_space<vmem>>)
      tpu.yield
    }) : () -> ()
    %dma_start3A = arith.constant 0 : i32
    %dma_start3A_18 = arith.constant 0 : i32
    %dma_start3A_19 = tpu.memref_slice %arg4[%dma_start3A, %dma_start3A_18] : memref<10240x128xf32, #tpu.memory_space<hbm>> -> memref<10240x128xf32, #tpu.memory_space<hbm>>
    tpu.enqueue_indirect_dma source(%dma_start3A_19 : memref<10240x128xf32, #tpu.memory_space<hbm>>) target(%arg12 : memref<128x128xf32, #tpu.memory_space<vmem>>) offsets(%arg8 : memref<128xi32, #tpu.memory_space<vmem>>) semaphore(%arg14 : memref<!tpu.dma_semaphore, #tpu.memory_space<semaphore_mem>>)
    %while3A = arith.constant 0 : i32
    %while3A_20 = arith.constant 0 : i32
    %while3A_21 = arith.subi %select_n3A_17, %while3A_20 : i32
    %while3A_22 = arith.addi %while3A_20, %while3A_21 : i32
    %while3A_23 = arith.constant 1 : i32
    %while3A_24 = arith.divsi %while3A_21, %while3A_23 : i32
    %while3A_25 = arith.muli %while3A_24, %while3A_23 : i32
    %while3A_26 = arith.addi %while3A_20, %while3A_25 : i32
    %while3A_27 = arith.constant 1 : i32
    scf.for %while3A_46 = %while3A_20 to %while3A_26 step %while3A_27  : i32 {
      %mul3A_47 = arith.constant 2 : i32
      %mul3A_48 = arith.muli %mul3A_47, %while3A_46 : i32
      %add3A_49 = arith.constant 1 : i32
      %add3A_50 = arith.addi %mul3A_48, %add3A_49 : i32
      %add3A_51 = arith.constant 0 : i32
      %add3A_52 = arith.addi %add3A_50, %add3A_51 : i32
      %mul3A_53 = arith.constant 128 : i32
      %mul3A_54 = arith.muli %add3A_52, %mul3A_53 : i32
      %add3A_55 = arith.addi %mul3A_12, %mul3A_54 : i32
      %multiple_of3A_56 = tpu.assume_multiple %add3A_55, 128 : i32
      "tpu.region"() ({
        %run_scoped3A = tpu.sem_alloc : memref<!tpu.dma_semaphore, #tpu.memory_space<semaphore_mem>>
        %dma_start3A_79 = tpu.memref_slice %arg2[%multiple_of3A_56] : memref<323584xi32, #tpu.memory_space<hbm>> -> memref<128xi32, #tpu.memory_space<hbm>>
        %dma_start3A_80 = tpu.memref_slice %arg2[%multiple_of3A_56] : memref<323584xi32, #tpu.memory_space<hbm>> -> memref<128xi32, #tpu.memory_space<hbm>>
        tpu.enqueue_dma source(%dma_start3A_80 : memref<128xi32, #tpu.memory_space<hbm>>) target(%arg9 : memref<128xi32, #tpu.memory_space<vmem>>) target_semaphore(%run_scoped3A : memref<!tpu.dma_semaphore, #tpu.memory_space<semaphore_mem>>)
        %dma_wait3A_81 = tpu.memref_slice %arg2[%multiple_of3A_56] : memref<323584xi32, #tpu.memory_space<hbm>> -> memref<128xi32, #tpu.memory_space<hbm>>
        %dma_wait3A_82 = tpu.memref_slice %arg2[%multiple_of3A_56] : memref<323584xi32, #tpu.memory_space<hbm>> -> memref<128xi32, #tpu.memory_space<hbm>>
        tpu.wait_dma2 semaphore(%run_scoped3A : memref<!tpu.dma_semaphore, #tpu.memory_space<semaphore_mem>>) src(%dma_wait3A_82 : memref<128xi32, #tpu.memory_space<hbm>>) dst(%arg9 : memref<128xi32, #tpu.memory_space<vmem>>)
        tpu.yield
      }) : () -> ()
      "tpu.region"() ({
        %run_scoped3A = tpu.sem_alloc : memref<!tpu.dma_semaphore, #tpu.memory_space<semaphore_mem>>
        %dma_start3A_79 = tpu.memref_slice %arg3[%multiple_of3A_56] : memref<323584xi32, #tpu.memory_space<hbm>> -> memref<128xi32, #tpu.memory_space<hbm>>
        %dma_start3A_80 = tpu.memref_slice %arg3[%multiple_of3A_56] : memref<323584xi32, #tpu.memory_space<hbm>> -> memref<128xi32, #tpu.memory_space<hbm>>
        tpu.enqueue_dma source(%dma_start3A_80 : memref<128xi32, #tpu.memory_space<hbm>>) target(%arg11 : memref<128xi32, #tpu.memory_space<vmem>>) target_semaphore(%run_scoped3A : memref<!tpu.dma_semaphore, #tpu.memory_space<semaphore_mem>>)
        %dma_wait3A_81 = tpu.memref_slice %arg3[%multiple_of3A_56] : memref<323584xi32, #tpu.memory_space<hbm>> -> memref<128xi32, #tpu.memory_space<hbm>>
        %dma_wait3A_82 = tpu.memref_slice %arg3[%multiple_of3A_56] : memref<323584xi32, #tpu.memory_space<hbm>> -> memref<128xi32, #tpu.memory_space<hbm>>
        tpu.wait_dma2 semaphore(%run_scoped3A : memref<!tpu.dma_semaphore, #tpu.memory_space<semaphore_mem>>) src(%dma_wait3A_82 : memref<128xi32, #tpu.memory_space<hbm>>) dst(%arg11 : memref<128xi32, #tpu.memory_space<vmem>>)
        tpu.yield
      }) : () -> ()
      %dma_start3A_57 = arith.constant 0 : i32
      %dma_start3A_58 = arith.constant 0 : i32
      %dma_start3A_59 = tpu.memref_slice %arg4[%dma_start3A_57, %dma_start3A_58] : memref<10240x128xf32, #tpu.memory_space<hbm>> -> memref<10240x128xf32, #tpu.memory_space<hbm>>
      tpu.enqueue_indirect_dma source(%dma_start3A_59 : memref<10240x128xf32, #tpu.memory_space<hbm>>) target(%arg13 : memref<128x128xf32, #tpu.memory_space<vmem>>) offsets(%arg9 : memref<128xi32, #tpu.memory_space<vmem>>) semaphore(%arg15 : memref<!tpu.dma_semaphore, #tpu.memory_space<semaphore_mem>>)
      %dma_wait3A_60 = arith.constant 0 : i32
      %dma_wait3A_61 = arith.constant 0 : i32
      %dma_wait3A_62 = tpu.memref_slice %arg4[%dma_wait3A_60, %dma_wait3A_61] : memref<10240x128xf32, #tpu.memory_space<hbm>> -> memref<10240x128xf32, #tpu.memory_space<hbm>>
      tpu.wait_indirect_dma semaphore(%arg14 : memref<!tpu.dma_semaphore, #tpu.memory_space<semaphore_mem>>) src(%dma_wait3A_62 : memref<10240x128xf32, #tpu.memory_space<hbm>>) dst(%arg12 : memref<128x128xf32, #tpu.memory_space<vmem>>)
      "tpu.region"() ({
        %run_scoped3A = tpu.sem_alloc : memref<!tpu.dma_semaphore, #tpu.memory_space<semaphore_mem>>
        %dma_start3A_79 = arith.constant 0 : i32
        %dma_start3A_80 = arith.constant 0 : i32
        %dma_start3A_81 = tpu.memref_slice %arg7[%dma_start3A_79, %dma_start3A_80] : memref<10240x128xf32, #tpu.memory_space<vmem_shared>> -> memref<10240x128xf32, #tpu.memory_space<vmem_shared>>
        tpu.enqueue_indirect_dma source(%arg12 : memref<128x128xf32, #tpu.memory_space<vmem>>) target(%dma_start3A_81 : memref<10240x128xf32, #tpu.memory_space<vmem_shared>>) offsets(%arg10 : memref<128xi32, #tpu.memory_space<vmem>>) semaphore(%run_scoped3A : memref<!tpu.dma_semaphore, #tpu.memory_space<semaphore_mem>>) {add = true}
        %dma_wait3A_82 = arith.constant 0 : i32
        %dma_wait3A_83 = arith.constant 0 : i32
        %dma_wait3A_84 = tpu.memref_slice %arg7[%dma_wait3A_82, %dma_wait3A_83] : memref<10240x128xf32, #tpu.memory_space<vmem_shared>> -> memref<10240x128xf32, #tpu.memory_space<vmem_shared>>
        tpu.wait_indirect_dma semaphore(%run_scoped3A : memref<!tpu.dma_semaphore, #tpu.memory_space<semaphore_mem>>) src(%arg12 : memref<128x128xf32, #tpu.memory_space<vmem>>) dst(%dma_wait3A_84 : memref<10240x128xf32, #tpu.memory_space<vmem_shared>>)
        tpu.yield
      }) : () -> ()
      %mul3A_63 = arith.constant 2 : i32
      %mul3A_64 = arith.muli %mul3A_63, %while3A_46 : i32
      %add3A_65 = arith.constant 1 : i32
      %add3A_66 = arith.addi %mul3A_64, %add3A_65 : i32
      %add3A_67 = arith.constant 1 : i32
      %add3A_68 = arith.addi %add3A_66, %add3A_67 : i32
      %mul3A_69 = arith.constant 128 : i32
      %mul3A_70 = arith.muli %add3A_68, %mul3A_69 : i32
      %add3A_71 = arith.addi %mul3A_12, %mul3A_70 : i32
      %multiple_of3A_72 = tpu.assume_multiple %add3A_71, 128 : i32
      "tpu.region"() ({
        %run_scoped3A = tpu.sem_alloc : memref<!tpu.dma_semaphore, #tpu.memory_space<semaphore_mem>>
        %dma_start3A_79 = tpu.memref_slice %arg2[%multiple_of3A_72] : memref<323584xi32, #tpu.memory_space<hbm>> -> memref<128xi32, #tpu.memory_space<hbm>>
        %dma_start3A_80 = tpu.memref_slice %arg2[%multiple_of3A_72] : memref<323584xi32, #tpu.memory_space<hbm>> -> memref<128xi32, #tpu.memory_space<hbm>>
        tpu.enqueue_dma source(%dma_start3A_80 : memref<128xi32, #tpu.memory_space<hbm>>) target(%arg8 : memref<128xi32, #tpu.memory_space<vmem>>) target_semaphore(%run_scoped3A : memref<!tpu.dma_semaphore, #tpu.memory_space<semaphore_mem>>)
        %dma_wait3A_81 = tpu.memref_slice %arg2[%multiple_of3A_72] : memref<323584xi32, #tpu.memory_space<hbm>> -> memref<128xi32, #tpu.memory_space<hbm>>
        %dma_wait3A_82 = tpu.memref_slice %arg2[%multiple_of3A_72] : memref<323584xi32, #tpu.memory_space<hbm>> -> memref<128xi32, #tpu.memory_space<hbm>>
        tpu.wait_dma2 semaphore(%run_scoped3A : memref<!tpu.dma_semaphore, #tpu.memory_space<semaphore_mem>>) src(%dma_wait3A_82 : memref<128xi32, #tpu.memory_space<hbm>>) dst(%arg8 : memref<128xi32, #tpu.memory_space<vmem>>)
        tpu.yield
      }) : () -> ()
      "tpu.region"() ({
        %run_scoped3A = tpu.sem_alloc : memref<!tpu.dma_semaphore, #tpu.memory_space<semaphore_mem>>
        %dma_start3A_79 = tpu.memref_slice %arg3[%multiple_of3A_72] : memref<323584xi32, #tpu.memory_space<hbm>> -> memref<128xi32, #tpu.memory_space<hbm>>
        %dma_start3A_80 = tpu.memref_slice %arg3[%multiple_of3A_72] : memref<323584xi32, #tpu.memory_space<hbm>> -> memref<128xi32, #tpu.memory_space<hbm>>
        tpu.enqueue_dma source(%dma_start3A_80 : memref<128xi32, #tpu.memory_space<hbm>>) target(%arg10 : memref<128xi32, #tpu.memory_space<vmem>>) target_semaphore(%run_scoped3A : memref<!tpu.dma_semaphore, #tpu.memory_space<semaphore_mem>>)
        %dma_wait3A_81 = tpu.memref_slice %arg3[%multiple_of3A_72] : memref<323584xi32, #tpu.memory_space<hbm>> -> memref<128xi32, #tpu.memory_space<hbm>>
        %dma_wait3A_82 = tpu.memref_slice %arg3[%multiple_of3A_72] : memref<323584xi32, #tpu.memory_space<hbm>> -> memref<128xi32, #tpu.memory_space<hbm>>
        tpu.wait_dma2 semaphore(%run_scoped3A : memref<!tpu.dma_semaphore, #tpu.memory_space<semaphore_mem>>) src(%dma_wait3A_82 : memref<128xi32, #tpu.memory_space<hbm>>) dst(%arg10 : memref<128xi32, #tpu.memory_space<vmem>>)
        tpu.yield
      }) : () -> ()
      %dma_start3A_73 = arith.constant 0 : i32
      %dma_start3A_74 = arith.constant 0 : i32
      %dma_start3A_75 = tpu.memref_slice %arg4[%dma_start3A_73, %dma_start3A_74] : memref<10240x128xf32, #tpu.memory_space<hbm>> -> memref<10240x128xf32, #tpu.memory_space<hbm>>
      tpu.enqueue_indirect_dma source(%dma_start3A_75 : memref<10240x128xf32, #tpu.memory_space<hbm>>) target(%arg12 : memref<128x128xf32, #tpu.memory_space<vmem>>) offsets(%arg8 : memref<128xi32, #tpu.memory_space<vmem>>) semaphore(%arg14 : memref<!tpu.dma_semaphore, #tpu.memory_space<semaphore_mem>>)
      %dma_wait3A_76 = arith.constant 0 : i32
      %dma_wait3A_77 = arith.constant 0 : i32
      %dma_wait3A_78 = tpu.memref_slice %arg4[%dma_wait3A_76, %dma_wait3A_77] : memref<10240x128xf32, #tpu.memory_space<hbm>> -> memref<10240x128xf32, #tpu.memory_space<hbm>>
      tpu.wait_indirect_dma semaphore(%arg15 : memref<!tpu.dma_semaphore, #tpu.memory_space<semaphore_mem>>) src(%dma_wait3A_78 : memref<10240x128xf32, #tpu.memory_space<hbm>>) dst(%arg13 : memref<128x128xf32, #tpu.memory_space<vmem>>)
      "tpu.region"() ({
        %run_scoped3A = tpu.sem_alloc : memref<!tpu.dma_semaphore, #tpu.memory_space<semaphore_mem>>
        %dma_start3A_79 = arith.constant 0 : i32
        %dma_start3A_80 = arith.constant 0 : i32
        %dma_start3A_81 = tpu.memref_slice %arg7[%dma_start3A_79, %dma_start3A_80] : memref<10240x128xf32, #tpu.memory_space<vmem_shared>> -> memref<10240x128xf32, #tpu.memory_space<vmem_shared>>
        tpu.enqueue_indirect_dma source(%arg13 : memref<128x128xf32, #tpu.memory_space<vmem>>) target(%dma_start3A_81 : memref<10240x128xf32, #tpu.memory_space<vmem_shared>>) offsets(%arg11 : memref<128xi32, #tpu.memory_space<vmem>>) semaphore(%run_scoped3A : memref<!tpu.dma_semaphore, #tpu.memory_space<semaphore_mem>>) {add = true}
        %dma_wait3A_82 = arith.constant 0 : i32
        %dma_wait3A_83 = arith.constant 0 : i32
        %dma_wait3A_84 = tpu.memref_slice %arg7[%dma_wait3A_82, %dma_wait3A_83] : memref<10240x128xf32, #tpu.memory_space<vmem_shared>> -> memref<10240x128xf32, #tpu.memory_space<vmem_shared>>
        tpu.wait_indirect_dma semaphore(%run_scoped3A : memref<!tpu.dma_semaphore, #tpu.memory_space<semaphore_mem>>) src(%arg13 : memref<128x128xf32, #tpu.memory_space<vmem>>) dst(%dma_wait3A_84 : memref<10240x128xf32, #tpu.memory_space<vmem_shared>>)
        tpu.yield
      }) : () -> ()
    }
    %while3A_28 = arith.constant 1 : i32
    scf.for %while3A_46 = %while3A_26 to %while3A_22 step %while3A_28  : i32 {
      %mul3A_47 = arith.constant 2 : i32
      %mul3A_48 = arith.muli %mul3A_47, %while3A_46 : i32
      %add3A_49 = arith.constant 1 : i32
      %add3A_50 = arith.addi %mul3A_48, %add3A_49 : i32
      %add3A_51 = arith.constant 0 : i32
      %add3A_52 = arith.addi %add3A_50, %add3A_51 : i32
      %mul3A_53 = arith.constant 128 : i32
      %mul3A_54 = arith.muli %add3A_52, %mul3A_53 : i32
      %add3A_55 = arith.addi %mul3A_12, %mul3A_54 : i32
      %multiple_of3A_56 = tpu.assume_multiple %add3A_55, 128 : i32
      "tpu.region"() ({
        %run_scoped3A = tpu.sem_alloc : memref<!tpu.dma_semaphore, #tpu.memory_space<semaphore_mem>>
        %dma_start3A_79 = tpu.memref_slice %arg2[%multiple_of3A_56] : memref<323584xi32, #tpu.memory_space<hbm>> -> memref<128xi32, #tpu.memory_space<hbm>>
        %dma_start3A_80 = tpu.memref_slice %arg2[%multiple_of3A_56] : memref<323584xi32, #tpu.memory_space<hbm>> -> memref<128xi32, #tpu.memory_space<hbm>>
        tpu.enqueue_dma source(%dma_start3A_80 : memref<128xi32, #tpu.memory_space<hbm>>) target(%arg9 : memref<128xi32, #tpu.memory_space<vmem>>) target_semaphore(%run_scoped3A : memref<!tpu.dma_semaphore, #tpu.memory_space<semaphore_mem>>)
        %dma_wait3A_81 = tpu.memref_slice %arg2[%multiple_of3A_56] : memref<323584xi32, #tpu.memory_space<hbm>> -> memref<128xi32, #tpu.memory_space<hbm>>
        %dma_wait3A_82 = tpu.memref_slice %arg2[%multiple_of3A_56] : memref<323584xi32, #tpu.memory_space<hbm>> -> memref<128xi32, #tpu.memory_space<hbm>>
        tpu.wait_dma2 semaphore(%run_scoped3A : memref<!tpu.dma_semaphore, #tpu.memory_space<semaphore_mem>>) src(%dma_wait3A_82 : memref<128xi32, #tpu.memory_space<hbm>>) dst(%arg9 : memref<128xi32, #tpu.memory_space<vmem>>)
        tpu.yield
      }) : () -> ()
      "tpu.region"() ({
        %run_scoped3A = tpu.sem_alloc : memref<!tpu.dma_semaphore, #tpu.memory_space<semaphore_mem>>
        %dma_start3A_79 = tpu.memref_slice %arg3[%multiple_of3A_56] : memref<323584xi32, #tpu.memory_space<hbm>> -> memref<128xi32, #tpu.memory_space<hbm>>
        %dma_start3A_80 = tpu.memref_slice %arg3[%multiple_of3A_56] : memref<323584xi32, #tpu.memory_space<hbm>> -> memref<128xi32, #tpu.memory_space<hbm>>
        tpu.enqueue_dma source(%dma_start3A_80 : memref<128xi32, #tpu.memory_space<hbm>>) target(%arg11 : memref<128xi32, #tpu.memory_space<vmem>>) target_semaphore(%run_scoped3A : memref<!tpu.dma_semaphore, #tpu.memory_space<semaphore_mem>>)
        %dma_wait3A_81 = tpu.memref_slice %arg3[%multiple_of3A_56] : memref<323584xi32, #tpu.memory_space<hbm>> -> memref<128xi32, #tpu.memory_space<hbm>>
        %dma_wait3A_82 = tpu.memref_slice %arg3[%multiple_of3A_56] : memref<323584xi32, #tpu.memory_space<hbm>> -> memref<128xi32, #tpu.memory_space<hbm>>
        tpu.wait_dma2 semaphore(%run_scoped3A : memref<!tpu.dma_semaphore, #tpu.memory_space<semaphore_mem>>) src(%dma_wait3A_82 : memref<128xi32, #tpu.memory_space<hbm>>) dst(%arg11 : memref<128xi32, #tpu.memory_space<vmem>>)
        tpu.yield
      }) : () -> ()
      %dma_start3A_57 = arith.constant 0 : i32
      %dma_start3A_58 = arith.constant 0 : i32
      %dma_start3A_59 = tpu.memref_slice %arg4[%dma_start3A_57, %dma_start3A_58] : memref<10240x128xf32, #tpu.memory_space<hbm>> -> memref<10240x128xf32, #tpu.memory_space<hbm>>
      tpu.enqueue_indirect_dma source(%dma_start3A_59 : memref<10240x128xf32, #tpu.memory_space<hbm>>) target(%arg13 : memref<128x128xf32, #tpu.memory_space<vmem>>) offsets(%arg9 : memref<128xi32, #tpu.memory_space<vmem>>) semaphore(%arg15 : memref<!tpu.dma_semaphore, #tpu.memory_space<semaphore_mem>>)
      %dma_wait3A_60 = arith.constant 0 : i32
      %dma_wait3A_61 = arith.constant 0 : i32
      %dma_wait3A_62 = tpu.memref_slice %arg4[%dma_wait3A_60, %dma_wait3A_61] : memref<10240x128xf32, #tpu.memory_space<hbm>> -> memref<10240x128xf32, #tpu.memory_space<hbm>>
      tpu.wait_indirect_dma semaphore(%arg14 : memref<!tpu.dma_semaphore, #tpu.memory_space<semaphore_mem>>) src(%dma_wait3A_62 : memref<10240x128xf32, #tpu.memory_space<hbm>>) dst(%arg12 : memref<128x128xf32, #tpu.memory_space<vmem>>)
      "tpu.region"() ({
        %run_scoped3A = tpu.sem_alloc : memref<!tpu.dma_semaphore, #tpu.memory_space<semaphore_mem>>
        %dma_start3A_79 = arith.constant 0 : i32
        %dma_start3A_80 = arith.constant 0 : i32
        %dma_start3A_81 = tpu.memref_slice %arg7[%dma_start3A_79, %dma_start3A_80] : memref<10240x128xf32, #tpu.memory_space<vmem_shared>> -> memref<10240x128xf32, #tpu.memory_space<vmem_shared>>
        tpu.enqueue_indirect_dma source(%arg12 : memref<128x128xf32, #tpu.memory_space<vmem>>) target(%dma_start3A_81 : memref<10240x128xf32, #tpu.memory_space<vmem_shared>>) offsets(%arg10 : memref<128xi32, #tpu.memory_space<vmem>>) semaphore(%run_scoped3A : memref<!tpu.dma_semaphore, #tpu.memory_space<semaphore_mem>>) {add = true}
        %dma_wait3A_82 = arith.constant 0 : i32
        %dma_wait3A_83 = arith.constant 0 : i32
        %dma_wait3A_84 = tpu.memref_slice %arg7[%dma_wait3A_82, %dma_wait3A_83] : memref<10240x128xf32, #tpu.memory_space<vmem_shared>> -> memref<10240x128xf32, #tpu.memory_space<vmem_shared>>
        tpu.wait_indirect_dma semaphore(%run_scoped3A : memref<!tpu.dma_semaphore, #tpu.memory_space<semaphore_mem>>) src(%arg12 : memref<128x128xf32, #tpu.memory_space<vmem>>) dst(%dma_wait3A_84 : memref<10240x128xf32, #tpu.memory_space<vmem_shared>>)
        tpu.yield
      }) : () -> ()
      %mul3A_63 = arith.constant 2 : i32
      %mul3A_64 = arith.muli %mul3A_63, %while3A_46 : i32
      %add3A_65 = arith.constant 1 : i32
      %add3A_66 = arith.addi %mul3A_64, %add3A_65 : i32
      %add3A_67 = arith.constant 1 : i32
      %add3A_68 = arith.addi %add3A_66, %add3A_67 : i32
      %mul3A_69 = arith.constant 128 : i32
      %mul3A_70 = arith.muli %add3A_68, %mul3A_69 : i32
      %add3A_71 = arith.addi %mul3A_12, %mul3A_70 : i32
      %multiple_of3A_72 = tpu.assume_multiple %add3A_71, 128 : i32
      "tpu.region"() ({
        %run_scoped3A = tpu.sem_alloc : memref<!tpu.dma_semaphore, #tpu.memory_space<semaphore_mem>>
        %dma_start3A_79 = tpu.memref_slice %arg2[%multiple_of3A_72] : memref<323584xi32, #tpu.memory_space<hbm>> -> memref<128xi32, #tpu.memory_space<hbm>>
        %dma_start3A_80 = tpu.memref_slice %arg2[%multiple_of3A_72] : memref<323584xi32, #tpu.memory_space<hbm>> -> memref<128xi32, #tpu.memory_space<hbm>>
        tpu.enqueue_dma source(%dma_start3A_80 : memref<128xi32, #tpu.memory_space<hbm>>) target(%arg8 : memref<128xi32, #tpu.memory_space<vmem>>) target_semaphore(%run_scoped3A : memref<!tpu.dma_semaphore, #tpu.memory_space<semaphore_mem>>)
        %dma_wait3A_81 = tpu.memref_slice %arg2[%multiple_of3A_72] : memref<323584xi32, #tpu.memory_space<hbm>> -> memref<128xi32, #tpu.memory_space<hbm>>
        %dma_wait3A_82 = tpu.memref_slice %arg2[%multiple_of3A_72] : memref<323584xi32, #tpu.memory_space<hbm>> -> memref<128xi32, #tpu.memory_space<hbm>>
        tpu.wait_dma2 semaphore(%run_scoped3A : memref<!tpu.dma_semaphore, #tpu.memory_space<semaphore_mem>>) src(%dma_wait3A_82 : memref<128xi32, #tpu.memory_space<hbm>>) dst(%arg8 : memref<128xi32, #tpu.memory_space<vmem>>)
        tpu.yield
      }) : () -> ()
      "tpu.region"() ({
        %run_scoped3A = tpu.sem_alloc : memref<!tpu.dma_semaphore, #tpu.memory_space<semaphore_mem>>
        %dma_start3A_79 = tpu.memref_slice %arg3[%multiple_of3A_72] : memref<323584xi32, #tpu.memory_space<hbm>> -> memref<128xi32, #tpu.memory_space<hbm>>
        %dma_start3A_80 = tpu.memref_slice %arg3[%multiple_of3A_72] : memref<323584xi32, #tpu.memory_space<hbm>> -> memref<128xi32, #tpu.memory_space<hbm>>
        tpu.enqueue_dma source(%dma_start3A_80 : memref<128xi32, #tpu.memory_space<hbm>>) target(%arg10 : memref<128xi32, #tpu.memory_space<vmem>>) target_semaphore(%run_scoped3A : memref<!tpu.dma_semaphore, #tpu.memory_space<semaphore_mem>>)
        %dma_wait3A_81 = tpu.memref_slice %arg3[%multiple_of3A_72] : memref<323584xi32, #tpu.memory_space<hbm>> -> memref<128xi32, #tpu.memory_space<hbm>>
        %dma_wait3A_82 = tpu.memref_slice %arg3[%multiple_of3A_72] : memref<323584xi32, #tpu.memory_space<hbm>> -> memref<128xi32, #tpu.memory_space<hbm>>
        tpu.wait_dma2 semaphore(%run_scoped3A : memref<!tpu.dma_semaphore, #tpu.memory_space<semaphore_mem>>) src(%dma_wait3A_82 : memref<128xi32, #tpu.memory_space<hbm>>) dst(%arg10 : memref<128xi32, #tpu.memory_space<vmem>>)
        tpu.yield
      }) : () -> ()
      %dma_start3A_73 = arith.constant 0 : i32
      %dma_start3A_74 = arith.constant 0 : i32
      %dma_start3A_75 = tpu.memref_slice %arg4[%dma_start3A_73, %dma_start3A_74] : memref<10240x128xf32, #tpu.memory_space<hbm>> -> memref<10240x128xf32, #tpu.memory_space<hbm>>
      tpu.enqueue_indirect_dma source(%dma_start3A_75 : memref<10240x128xf32, #tpu.memory_space<hbm>>) target(%arg12 : memref<128x128xf32, #tpu.memory_space<vmem>>) offsets(%arg8 : memref<128xi32, #tpu.memory_space<vmem>>) semaphore(%arg14 : memref<!tpu.dma_semaphore, #tpu.memory_space<semaphore_mem>>)
      %dma_wait3A_76 = arith.constant 0 : i32
      %dma_wait3A_77 = arith.constant 0 : i32
      %dma_wait3A_78 = tpu.memref_slice %arg4[%dma_wait3A_76, %dma_wait3A_77] : memref<10240x128xf32, #tpu.memory_space<hbm>> -> memref<10240x128xf32, #tpu.memory_space<hbm>>
      tpu.wait_indirect_dma semaphore(%arg15 : memref<!tpu.dma_semaphore, #tpu.memory_space<semaphore_mem>>) src(%dma_wait3A_78 : memref<10240x128xf32, #tpu.memory_space<hbm>>) dst(%arg13 : memref<128x128xf32, #tpu.memory_space<vmem>>)
      "tpu.region"() ({
        %run_scoped3A = tpu.sem_alloc : memref<!tpu.dma_semaphore, #tpu.memory_space<semaphore_mem>>
        %dma_start3A_79 = arith.constant 0 : i32
        %dma_start3A_80 = arith.constant 0 : i32
        %dma_start3A_81 = tpu.memref_slice %arg7[%dma_start3A_79, %dma_start3A_80] : memref<10240x128xf32, #tpu.memory_space<vmem_shared>> -> memref<10240x128xf32, #tpu.memory_space<vmem_shared>>
        tpu.enqueue_indirect_dma source(%arg13 : memref<128x128xf32, #tpu.memory_space<vmem>>) target(%dma_start3A_81 : memref<10240x128xf32, #tpu.memory_space<vmem_shared>>) offsets(%arg11 : memref<128xi32, #tpu.memory_space<vmem>>) semaphore(%run_scoped3A : memref<!tpu.dma_semaphore, #tpu.memory_space<semaphore_mem>>) {add = true}
        %dma_wait3A_82 = arith.constant 0 : i32
        %dma_wait3A_83 = arith.constant 0 : i32
        %dma_wait3A_84 = tpu.memref_slice %arg7[%dma_wait3A_82, %dma_wait3A_83] : memref<10240x128xf32, #tpu.memory_space<vmem_shared>> -> memref<10240x128xf32, #tpu.memory_space<vmem_shared>>
        tpu.wait_indirect_dma semaphore(%run_scoped3A : memref<!tpu.dma_semaphore, #tpu.memory_space<semaphore_mem>>) src(%arg13 : memref<128x128xf32, #tpu.memory_space<vmem>>) dst(%dma_wait3A_84 : memref<10240x128xf32, #tpu.memory_space<vmem_shared>>)
        tpu.yield
      }) : () -> ()
    }
    %sub3A = arith.constant 1 : i32
    %sub3A_29 = arith.subi %select_n3A, %sub3A : i32
    %mul3A_30 = arith.constant 128 : i32
    %mul3A_31 = arith.muli %sub3A_29, %mul3A_30 : i32
    %add3A_32 = arith.addi %mul3A_12, %mul3A_31 : i32
    %multiple_of3A_33 = tpu.assume_multiple %add3A_32, 128 : i32
    "tpu.region"() ({
      %run_scoped3A = tpu.sem_alloc : memref<!tpu.dma_semaphore, #tpu.memory_space<semaphore_mem>>
      %dma_start3A_46 = tpu.memref_slice %arg2[%multiple_of3A_33] : memref<323584xi32, #tpu.memory_space<hbm>> -> memref<128xi32, #tpu.memory_space<hbm>>
      %dma_start3A_47 = tpu.memref_slice %arg2[%multiple_of3A_33] : memref<323584xi32, #tpu.memory_space<hbm>> -> memref<128xi32, #tpu.memory_space<hbm>>
      tpu.enqueue_dma source(%dma_start3A_47 : memref<128xi32, #tpu.memory_space<hbm>>) target(%arg9 : memref<128xi32, #tpu.memory_space<vmem>>) target_semaphore(%run_scoped3A : memref<!tpu.dma_semaphore, #tpu.memory_space<semaphore_mem>>)
      %dma_wait3A_48 = tpu.memref_slice %arg2[%multiple_of3A_33] : memref<323584xi32, #tpu.memory_space<hbm>> -> memref<128xi32, #tpu.memory_space<hbm>>
      %dma_wait3A_49 = tpu.memref_slice %arg2[%multiple_of3A_33] : memref<323584xi32, #tpu.memory_space<hbm>> -> memref<128xi32, #tpu.memory_space<hbm>>
      tpu.wait_dma2 semaphore(%run_scoped3A : memref<!tpu.dma_semaphore, #tpu.memory_space<semaphore_mem>>) src(%dma_wait3A_49 : memref<128xi32, #tpu.memory_space<hbm>>) dst(%arg9 : memref<128xi32, #tpu.memory_space<vmem>>)
      tpu.yield
    }) : () -> ()
    "tpu.region"() ({
      %run_scoped3A = tpu.sem_alloc : memref<!tpu.dma_semaphore, #tpu.memory_space<semaphore_mem>>
      %dma_start3A_46 = tpu.memref_slice %arg3[%multiple_of3A_33] : memref<323584xi32, #tpu.memory_space<hbm>> -> memref<128xi32, #tpu.memory_space<hbm>>
      %dma_start3A_47 = tpu.memref_slice %arg3[%multiple_of3A_33] : memref<323584xi32, #tpu.memory_space<hbm>> -> memref<128xi32, #tpu.memory_space<hbm>>
      tpu.enqueue_dma source(%dma_start3A_47 : memref<128xi32, #tpu.memory_space<hbm>>) target(%arg11 : memref<128xi32, #tpu.memory_space<vmem>>) target_semaphore(%run_scoped3A : memref<!tpu.dma_semaphore, #tpu.memory_space<semaphore_mem>>)
      %dma_wait3A_48 = tpu.memref_slice %arg3[%multiple_of3A_33] : memref<323584xi32, #tpu.memory_space<hbm>> -> memref<128xi32, #tpu.memory_space<hbm>>
      %dma_wait3A_49 = tpu.memref_slice %arg3[%multiple_of3A_33] : memref<323584xi32, #tpu.memory_space<hbm>> -> memref<128xi32, #tpu.memory_space<hbm>>
      tpu.wait_dma2 semaphore(%run_scoped3A : memref<!tpu.dma_semaphore, #tpu.memory_space<semaphore_mem>>) src(%dma_wait3A_49 : memref<128xi32, #tpu.memory_space<hbm>>) dst(%arg11 : memref<128xi32, #tpu.memory_space<vmem>>)
      tpu.yield
    }) : () -> ()
    %dma_start3A_34 = arith.constant 0 : i32
    %dma_start3A_35 = arith.constant 0 : i32
    %dma_start3A_36 = tpu.memref_slice %arg4[%dma_start3A_34, %dma_start3A_35] : memref<10240x128xf32, #tpu.memory_space<hbm>> -> memref<10240x128xf32, #tpu.memory_space<hbm>>
    tpu.enqueue_indirect_dma source(%dma_start3A_36 : memref<10240x128xf32, #tpu.memory_space<hbm>>) target(%arg13 : memref<128x128xf32, #tpu.memory_space<vmem>>) offsets(%arg9 : memref<128xi32, #tpu.memory_space<vmem>>) semaphore(%arg15 : memref<!tpu.dma_semaphore, #tpu.memory_space<semaphore_mem>>)
    %dma_wait3A = arith.constant 0 : i32
    %dma_wait3A_37 = arith.constant 0 : i32
    %dma_wait3A_38 = tpu.memref_slice %arg4[%dma_wait3A, %dma_wait3A_37] : memref<10240x128xf32, #tpu.memory_space<hbm>> -> memref<10240x128xf32, #tpu.memory_space<hbm>>
    tpu.wait_indirect_dma semaphore(%arg14 : memref<!tpu.dma_semaphore, #tpu.memory_space<semaphore_mem>>) src(%dma_wait3A_38 : memref<10240x128xf32, #tpu.memory_space<hbm>>) dst(%arg12 : memref<128x128xf32, #tpu.memory_space<vmem>>)
    "tpu.region"() ({
      %run_scoped3A = tpu.sem_alloc : memref<!tpu.dma_semaphore, #tpu.memory_space<semaphore_mem>>
      %dma_start3A_46 = arith.constant 0 : i32
      %dma_start3A_47 = arith.constant 0 : i32
      %dma_start3A_48 = tpu.memref_slice %arg7[%dma_start3A_46, %dma_start3A_47] : memref<10240x128xf32, #tpu.memory_space<vmem_shared>> -> memref<10240x128xf32, #tpu.memory_space<vmem_shared>>
      tpu.enqueue_indirect_dma source(%arg12 : memref<128x128xf32, #tpu.memory_space<vmem>>) target(%dma_start3A_48 : memref<10240x128xf32, #tpu.memory_space<vmem_shared>>) offsets(%arg10 : memref<128xi32, #tpu.memory_space<vmem>>) semaphore(%run_scoped3A : memref<!tpu.dma_semaphore, #tpu.memory_space<semaphore_mem>>) {add = true}
      %dma_wait3A_49 = arith.constant 0 : i32
      %dma_wait3A_50 = arith.constant 0 : i32
      %dma_wait3A_51 = tpu.memref_slice %arg7[%dma_wait3A_49, %dma_wait3A_50] : memref<10240x128xf32, #tpu.memory_space<vmem_shared>> -> memref<10240x128xf32, #tpu.memory_space<vmem_shared>>
      tpu.wait_indirect_dma semaphore(%run_scoped3A : memref<!tpu.dma_semaphore, #tpu.memory_space<semaphore_mem>>) src(%arg12 : memref<128x128xf32, #tpu.memory_space<vmem>>) dst(%dma_wait3A_51 : memref<10240x128xf32, #tpu.memory_space<vmem_shared>>)
      tpu.yield
    }) : () -> ()
    %dma_wait3A_39 = arith.constant 0 : i32
    %dma_wait3A_40 = arith.constant 0 : i32
    %dma_wait3A_41 = tpu.memref_slice %arg4[%dma_wait3A_39, %dma_wait3A_40] : memref<10240x128xf32, #tpu.memory_space<hbm>> -> memref<10240x128xf32, #tpu.memory_space<hbm>>
    tpu.wait_indirect_dma semaphore(%arg15 : memref<!tpu.dma_semaphore, #tpu.memory_space<semaphore_mem>>) src(%dma_wait3A_41 : memref<10240x128xf32, #tpu.memory_space<hbm>>) dst(%arg13 : memref<128x128xf32, #tpu.memory_space<vmem>>)
    "tpu.region"() ({
      %run_scoped3A = tpu.sem_alloc : memref<!tpu.dma_semaphore, #tpu.memory_space<semaphore_mem>>
      %dma_start3A_46 = arith.constant 0 : i32
      %dma_start3A_47 = arith.constant 0 : i32
      %dma_start3A_48 = tpu.memref_slice %arg7[%dma_start3A_46, %dma_start3A_47] : memref<10240x128xf32, #tpu.memory_space<vmem_shared>> -> memref<10240x128xf32, #tpu.memory_space<vmem_shared>>
      tpu.enqueue_indirect_dma source(%arg13 : memref<128x128xf32, #tpu.memory_space<vmem>>) target(%dma_start3A_48 : memref<10240x128xf32, #tpu.memory_space<vmem_shared>>) offsets(%arg11 : memref<128xi32, #tpu.memory_space<vmem>>) semaphore(%run_scoped3A : memref<!tpu.dma_semaphore, #tpu.memory_space<semaphore_mem>>) {add = true}
      %dma_wait3A_49 = arith.constant 0 : i32
      %dma_wait3A_50 = arith.constant 0 : i32
      %dma_wait3A_51 = tpu.memref_slice %arg7[%dma_wait3A_49, %dma_wait3A_50] : memref<10240x128xf32, #tpu.memory_space<vmem_shared>> -> memref<10240x128xf32, #tpu.memory_space<vmem_shared>>
      tpu.wait_indirect_dma semaphore(%run_scoped3A : memref<!tpu.dma_semaphore, #tpu.memory_space<semaphore_mem>>) src(%arg13 : memref<128x128xf32, #tpu.memory_space<vmem>>) dst(%dma_wait3A_51 : memref<10240x128xf32, #tpu.memory_space<vmem_shared>>)
      tpu.yield
    }) : () -> ()
    %barrier3A_42 = arith.constant 0 : index
    tpu.barrier barrier_id(%barrier3A_42)
    %mul3A_43 = arith.constant 640 : i32
    %mul3A_44 = arith.muli %arg1, %mul3A_43 : i32
    %multiple_of3A_45 = tpu.assume_multiple %mul3A_44, 640 : i32
    "tpu.region"() ({
      %run_scoped3A = tpu.sem_alloc : memref<!tpu.dma_semaphore, #tpu.memory_space<semaphore_mem>>
      %dma_start3A_46 = arith.constant 0 : i32
      %dma_start3A_47 = tpu.memref_slice %arg6[%arg0, %multiple_of3A_45, %dma_start3A_46] : memref<2x10240x128xf32, #tpu.memory_space<hbm>> -> memref<1x640x128xf32, #tpu.memory_space<hbm>>
      %dma_start3A_48 = tpu.memref_squeeze %dma_start3A_47 : memref<1x640x128xf32, #tpu.memory_space<hbm>> -> memref<640x128xf32, #tpu.memory_space<hbm>>
      %dma_start3A_49 = arith.constant 0 : i32
      %dma_start3A_50 = tpu.memref_slice %arg7[%multiple_of3A_45, %dma_start3A_49] : memref<10240x128xf32, #tpu.memory_space<vmem_shared>> -> memref<640x128xf32, #tpu.memory_space<vmem_shared>>
      tpu.enqueue_dma source(%dma_start3A_50 : memref<640x128xf32, #tpu.memory_space<vmem_shared>>) target(%dma_start3A_48 : memref<640x128xf32, #tpu.memory_space<hbm>>) target_semaphore(%run_scoped3A : memref<!tpu.dma_semaphore, #tpu.memory_space<semaphore_mem>>)
      %dma_wait3A_51 = arith.constant 0 : i32
      %dma_wait3A_52 = tpu.memref_slice %arg6[%arg0, %multiple_of3A_45, %dma_wait3A_51] : memref<2x10240x128xf32, #tpu.memory_space<hbm>> -> memref<1x640x128xf32, #tpu.memory_space<hbm>>
      %dma_wait3A_53 = tpu.memref_squeeze %dma_wait3A_52 : memref<1x640x128xf32, #tpu.memory_space<hbm>> -> memref<640x128xf32, #tpu.memory_space<hbm>>
      %dma_wait3A_54 = arith.constant 0 : i32
      %dma_wait3A_55 = tpu.memref_slice %arg7[%multiple_of3A_45, %dma_wait3A_54] : memref<10240x128xf32, #tpu.memory_space<vmem_shared>> -> memref<640x128xf32, #tpu.memory_space<vmem_shared>>
      tpu.wait_dma2 semaphore(%run_scoped3A : memref<!tpu.dma_semaphore, #tpu.memory_space<semaphore_mem>>) src(%dma_wait3A_55 : memref<640x128xf32, #tpu.memory_space<vmem_shared>>) dst(%dma_wait3A_53 : memref<640x128xf32, #tpu.memory_space<hbm>>)
      tpu.yield
    }) : () -> ()
    return
  }
}

#map = affine_map<(d0, d1) -> (0)>
#map1 = affine_map<(d0, d1) -> (0, 0)>
#map2 = affine_map<(d0, d1) -> (0, 0, 0)>
module attributes {stable_mosaic.version = 14 : i64} {
  func.func @_sc_aggregate(%arg0: i32, %arg1: i32, %arg2: memref<323584xi32, #tpu.memory_space<hbm>>, %arg3: memref<323584xi32, #tpu.memory_space<hbm>>, %arg4: memref<10240x128xf32, #tpu.memory_space<hbm>>, %arg5: memref<640x128xf32, #tpu.memory_space<hbm>>, %arg6: memref<2x10240x128xf32, #tpu.memory_space<hbm>>, %arg7: memref<10240x128xf32, #tpu.memory_space<vmem_shared>>, %arg8: memref<128xi32, #tpu.memory_space<vmem>>, %arg9: memref<128xi32, #tpu.memory_space<vmem>>, %arg10: memref<128xi32, #tpu.memory_space<vmem>>, %arg11: memref<128xi32, #tpu.memory_space<vmem>>, %arg12: memref<128x128xf32, #tpu.memory_space<vmem>>, %arg13: memref<128x128xf32, #tpu.memory_space<vmem>>, %arg14: memref<!tpu.dma_semaphore, #tpu.memory_space<semaphore_mem>>, %arg15: memref<!tpu.dma_semaphore, #tpu.memory_space<semaphore_mem>>) attributes {dimension_semantics = [#tpu.dimension_semantics<core_parallel>, #tpu.dimension_semantics<subcore_parallel>], iteration_bounds = array<i64: 2, 16>, scalar_prefetch = 0 : i64, scratch_operands = 9 : i64, tpu.core_type = #tpu.core_type<sc_vector_subcore>, window_params = [{transform_indices = #map}, {transform_indices = #map}, {transform_indices = #map1}, {transform_indices = #map1}, {transform_indices = #map2}]} {
    %mul3A = arith.constant 640 : i32
    %mul3A_0 = arith.muli %arg1, %mul3A : i32
    "tpu.region"() ({
      %run_scoped3A = tpu.sem_alloc : memref<!tpu.dma_semaphore, #tpu.memory_space<semaphore_mem>>
      %dma_start3A_46 = arith.constant 0 : i32
      %dma_start3A_47 = tpu.memref_slice %arg7[%mul3A_0, %dma_start3A_46] : memref<10240x128xf32, #tpu.memory_space<vmem_shared>> -> memref<640x128xf32, #tpu.memory_space<vmem_shared>>
      tpu.enqueue_dma source(%arg5 : memref<640x128xf32, #tpu.memory_space<hbm>>) target(%dma_start3A_47 : memref<640x128xf32, #tpu.memory_space<vmem_shared>>) target_semaphore(%run_scoped3A : memref<!tpu.dma_semaphore, #tpu.memory_space<semaphore_mem>>)
      %dma_wait3A_48 = arith.constant 0 : i32
      %dma_wait3A_49 = tpu.memref_slice %arg7[%mul3A_0, %dma_wait3A_48] : memref<10240x128xf32, #tpu.memory_space<vmem_shared>> -> memref<640x128xf32, #tpu.memory_space<vmem_shared>>
      tpu.wait_dma2 semaphore(%run_scoped3A : memref<!tpu.dma_semaphore, #tpu.memory_space<semaphore_mem>>) src(%arg5 : memref<640x128xf32, #tpu.memory_space<hbm>>) dst(%dma_wait3A_49 : memref<640x128xf32, #tpu.memory_space<vmem_shared>>)
      tpu.yield
    }) : () -> ()
    %barrier3A = arith.constant 0 : index
    tpu.barrier barrier_id(%barrier3A)
    %eq3A = arith.constant 0 : i32
    %eq3A_1 = arith.cmpi eq, %arg0, %eq3A : i32
    %jit3A = arith.constant 126 : i32
    %jit3A_2 = arith.constant 32 : i32
    %select_n3A = arith.select %eq3A_1, %jit3A, %jit3A_2 : i32
    %eq3A_3 = arith.constant 0 : i32
    %eq3A_4 = arith.cmpi eq, %arg0, %eq3A_3 : i32
    %mul3A_5 = arith.constant 126 : i32
    %mul3A_6 = arith.muli %arg1, %mul3A_5 : i32
    %mul3A_7 = arith.constant 32 : i32
    %mul3A_8 = arith.muli %arg1, %mul3A_7 : i32
    %add3A = arith.constant 2016 : i32
    %add3A_9 = arith.addi %add3A, %mul3A_8 : i32
    %select_n3A_10 = arith.select %eq3A_4, %mul3A_6, %add3A_9 : i32
    %mul3A_11 = arith.constant 128 : i32
    %mul3A_12 = arith.muli %select_n3A_10, %mul3A_11 : i32
    %eq3A_13 = arith.constant 0 : i32
    %eq3A_14 = arith.cmpi eq, %arg0, %eq3A_13 : i32
    %jit3A_15 = arith.constant 62 : i32
    %jit3A_16 = arith.constant 15 : i32
    %select_n3A_17 = arith.select %eq3A_14, %jit3A_15, %jit3A_16 : i32
    %multiple_of3A = tpu.assume_multiple %mul3A_12, 128 : i32
    "tpu.region"() ({
      %run_scoped3A = tpu.sem_alloc : memref<!tpu.dma_semaphore, #tpu.memory_space<semaphore_mem>>
      %dma_start3A_46 = tpu.memref_slice %arg2[%multiple_of3A] : memref<323584xi32, #tpu.memory_space<hbm>> -> memref<128xi32, #tpu.memory_space<hbm>>
      %dma_start3A_47 = tpu.memref_slice %arg2[%multiple_of3A] : memref<323584xi32, #tpu.memory_space<hbm>> -> memref<128xi32, #tpu.memory_space<hbm>>
      tpu.enqueue_dma source(%dma_start3A_47 : memref<128xi32, #tpu.memory_space<hbm>>) target(%arg8 : memref<128xi32, #tpu.memory_space<vmem>>) target_semaphore(%run_scoped3A : memref<!tpu.dma_semaphore, #tpu.memory_space<semaphore_mem>>)
      %dma_wait3A_48 = tpu.memref_slice %arg2[%multiple_of3A] : memref<323584xi32, #tpu.memory_space<hbm>> -> memref<128xi32, #tpu.memory_space<hbm>>
      %dma_wait3A_49 = tpu.memref_slice %arg2[%multiple_of3A] : memref<323584xi32, #tpu.memory_space<hbm>> -> memref<128xi32, #tpu.memory_space<hbm>>
      tpu.wait_dma2 semaphore(%run_scoped3A : memref<!tpu.dma_semaphore, #tpu.memory_space<semaphore_mem>>) src(%dma_wait3A_49 : memref<128xi32, #tpu.memory_space<hbm>>) dst(%arg8 : memref<128xi32, #tpu.memory_space<vmem>>)
      tpu.yield
    }) : () -> ()
    "tpu.region"() ({
      %run_scoped3A = tpu.sem_alloc : memref<!tpu.dma_semaphore, #tpu.memory_space<semaphore_mem>>
      %dma_start3A_46 = tpu.memref_slice %arg3[%multiple_of3A] : memref<323584xi32, #tpu.memory_space<hbm>> -> memref<128xi32, #tpu.memory_space<hbm>>
      %dma_start3A_47 = tpu.memref_slice %arg3[%multiple_of3A] : memref<323584xi32, #tpu.memory_space<hbm>> -> memref<128xi32, #tpu.memory_space<hbm>>
      tpu.enqueue_dma source(%dma_start3A_47 : memref<128xi32, #tpu.memory_space<hbm>>) target(%arg10 : memref<128xi32, #tpu.memory_space<vmem>>) target_semaphore(%run_scoped3A : memref<!tpu.dma_semaphore, #tpu.memory_space<semaphore_mem>>)
      %dma_wait3A_48 = tpu.memref_slice %arg3[%multiple_of3A] : memref<323584xi32, #tpu.memory_space<hbm>> -> memref<128xi32, #tpu.memory_space<hbm>>
      %dma_wait3A_49 = tpu.memref_slice %arg3[%multiple_of3A] : memref<323584xi32, #tpu.memory_space<hbm>> -> memref<128xi32, #tpu.memory_space<hbm>>
      tpu.wait_dma2 semaphore(%run_scoped3A : memref<!tpu.dma_semaphore, #tpu.memory_space<semaphore_mem>>) src(%dma_wait3A_49 : memref<128xi32, #tpu.memory_space<hbm>>) dst(%arg10 : memref<128xi32, #tpu.memory_space<vmem>>)
      tpu.yield
    }) : () -> ()
    %dma_start3A = arith.constant 0 : i32
    %dma_start3A_18 = arith.constant 0 : i32
    %dma_start3A_19 = tpu.memref_slice %arg4[%dma_start3A, %dma_start3A_18] : memref<10240x128xf32, #tpu.memory_space<hbm>> -> memref<10240x128xf32, #tpu.memory_space<hbm>>
    tpu.enqueue_indirect_dma source(%dma_start3A_19 : memref<10240x128xf32, #tpu.memory_space<hbm>>) target(%arg12 : memref<128x128xf32, #tpu.memory_space<vmem>>) offsets(%arg8 : memref<128xi32, #tpu.memory_space<vmem>>) semaphore(%arg14 : memref<!tpu.dma_semaphore, #tpu.memory_space<semaphore_mem>>)
    %while3A = arith.constant 0 : i32
    %while3A_20 = arith.constant 0 : i32
    %while3A_21 = arith.subi %select_n3A_17, %while3A_20 : i32
    %while3A_22 = arith.addi %while3A_20, %while3A_21 : i32
    %while3A_23 = arith.constant 1 : i32
    %while3A_24 = arith.divsi %while3A_21, %while3A_23 : i32
    %while3A_25 = arith.muli %while3A_24, %while3A_23 : i32
    %while3A_26 = arith.addi %while3A_20, %while3A_25 : i32
    %while3A_27 = arith.constant 1 : i32
    scf.for %while3A_46 = %while3A_20 to %while3A_26 step %while3A_27  : i32 {
      %mul3A_47 = arith.constant 2 : i32
      %mul3A_48 = arith.muli %mul3A_47, %while3A_46 : i32
      %add3A_49 = arith.constant 1 : i32
      %add3A_50 = arith.addi %mul3A_48, %add3A_49 : i32
      %add3A_51 = arith.constant 0 : i32
      %add3A_52 = arith.addi %add3A_50, %add3A_51 : i32
      %mul3A_53 = arith.constant 128 : i32
      %mul3A_54 = arith.muli %add3A_52, %mul3A_53 : i32
      %add3A_55 = arith.addi %mul3A_12, %mul3A_54 : i32
      %multiple_of3A_56 = tpu.assume_multiple %add3A_55, 128 : i32
      "tpu.region"() ({
        %run_scoped3A = tpu.sem_alloc : memref<!tpu.dma_semaphore, #tpu.memory_space<semaphore_mem>>
        %dma_start3A_79 = tpu.memref_slice %arg2[%multiple_of3A_56] : memref<323584xi32, #tpu.memory_space<hbm>> -> memref<128xi32, #tpu.memory_space<hbm>>
        %dma_start3A_80 = tpu.memref_slice %arg2[%multiple_of3A_56] : memref<323584xi32, #tpu.memory_space<hbm>> -> memref<128xi32, #tpu.memory_space<hbm>>
        tpu.enqueue_dma source(%dma_start3A_80 : memref<128xi32, #tpu.memory_space<hbm>>) target(%arg9 : memref<128xi32, #tpu.memory_space<vmem>>) target_semaphore(%run_scoped3A : memref<!tpu.dma_semaphore, #tpu.memory_space<semaphore_mem>>)
        %dma_wait3A_81 = tpu.memref_slice %arg2[%multiple_of3A_56] : memref<323584xi32, #tpu.memory_space<hbm>> -> memref<128xi32, #tpu.memory_space<hbm>>
        %dma_wait3A_82 = tpu.memref_slice %arg2[%multiple_of3A_56] : memref<323584xi32, #tpu.memory_space<hbm>> -> memref<128xi32, #tpu.memory_space<hbm>>
        tpu.wait_dma2 semaphore(%run_scoped3A : memref<!tpu.dma_semaphore, #tpu.memory_space<semaphore_mem>>) src(%dma_wait3A_82 : memref<128xi32, #tpu.memory_space<hbm>>) dst(%arg9 : memref<128xi32, #tpu.memory_space<vmem>>)
        tpu.yield
      }) : () -> ()
      "tpu.region"() ({
        %run_scoped3A = tpu.sem_alloc : memref<!tpu.dma_semaphore, #tpu.memory_space<semaphore_mem>>
        %dma_start3A_79 = tpu.memref_slice %arg3[%multiple_of3A_56] : memref<323584xi32, #tpu.memory_space<hbm>> -> memref<128xi32, #tpu.memory_space<hbm>>
        %dma_start3A_80 = tpu.memref_slice %arg3[%multiple_of3A_56] : memref<323584xi32, #tpu.memory_space<hbm>> -> memref<128xi32, #tpu.memory_space<hbm>>
        tpu.enqueue_dma source(%dma_start3A_80 : memref<128xi32, #tpu.memory_space<hbm>>) target(%arg11 : memref<128xi32, #tpu.memory_space<vmem>>) target_semaphore(%run_scoped3A : memref<!tpu.dma_semaphore, #tpu.memory_space<semaphore_mem>>)
        %dma_wait3A_81 = tpu.memref_slice %arg3[%multiple_of3A_56] : memref<323584xi32, #tpu.memory_space<hbm>> -> memref<128xi32, #tpu.memory_space<hbm>>
        %dma_wait3A_82 = tpu.memref_slice %arg3[%multiple_of3A_56] : memref<323584xi32, #tpu.memory_space<hbm>> -> memref<128xi32, #tpu.memory_space<hbm>>
        tpu.wait_dma2 semaphore(%run_scoped3A : memref<!tpu.dma_semaphore, #tpu.memory_space<semaphore_mem>>) src(%dma_wait3A_82 : memref<128xi32, #tpu.memory_space<hbm>>) dst(%arg11 : memref<128xi32, #tpu.memory_space<vmem>>)
        tpu.yield
      }) : () -> ()
      %dma_start3A_57 = arith.constant 0 : i32
      %dma_start3A_58 = arith.constant 0 : i32
      %dma_start3A_59 = tpu.memref_slice %arg4[%dma_start3A_57, %dma_start3A_58] : memref<10240x128xf32, #tpu.memory_space<hbm>> -> memref<10240x128xf32, #tpu.memory_space<hbm>>
      tpu.enqueue_indirect_dma source(%dma_start3A_59 : memref<10240x128xf32, #tpu.memory_space<hbm>>) target(%arg13 : memref<128x128xf32, #tpu.memory_space<vmem>>) offsets(%arg9 : memref<128xi32, #tpu.memory_space<vmem>>) semaphore(%arg15 : memref<!tpu.dma_semaphore, #tpu.memory_space<semaphore_mem>>)
      %dma_wait3A_60 = arith.constant 0 : i32
      %dma_wait3A_61 = arith.constant 0 : i32
      %dma_wait3A_62 = tpu.memref_slice %arg4[%dma_wait3A_60, %dma_wait3A_61] : memref<10240x128xf32, #tpu.memory_space<hbm>> -> memref<10240x128xf32, #tpu.memory_space<hbm>>
      tpu.wait_indirect_dma semaphore(%arg14 : memref<!tpu.dma_semaphore, #tpu.memory_space<semaphore_mem>>) src(%dma_wait3A_62 : memref<10240x128xf32, #tpu.memory_space<hbm>>) dst(%arg12 : memref<128x128xf32, #tpu.memory_space<vmem>>)
      "tpu.region"() ({
        %run_scoped3A = tpu.sem_alloc : memref<!tpu.dma_semaphore, #tpu.memory_space<semaphore_mem>>
        %dma_start3A_79 = arith.constant 0 : i32
        %dma_start3A_80 = arith.constant 0 : i32
        %dma_start3A_81 = tpu.memref_slice %arg7[%dma_start3A_79, %dma_start3A_80] : memref<10240x128xf32, #tpu.memory_space<vmem_shared>> -> memref<10240x128xf32, #tpu.memory_space<vmem_shared>>
        tpu.enqueue_indirect_dma source(%arg12 : memref<128x128xf32, #tpu.memory_space<vmem>>) target(%dma_start3A_81 : memref<10240x128xf32, #tpu.memory_space<vmem_shared>>) offsets(%arg10 : memref<128xi32, #tpu.memory_space<vmem>>) semaphore(%run_scoped3A : memref<!tpu.dma_semaphore, #tpu.memory_space<semaphore_mem>>) {add = true}
        %dma_wait3A_82 = arith.constant 0 : i32
        %dma_wait3A_83 = arith.constant 0 : i32
        %dma_wait3A_84 = tpu.memref_slice %arg7[%dma_wait3A_82, %dma_wait3A_83] : memref<10240x128xf32, #tpu.memory_space<vmem_shared>> -> memref<10240x128xf32, #tpu.memory_space<vmem_shared>>
        tpu.wait_indirect_dma semaphore(%run_scoped3A : memref<!tpu.dma_semaphore, #tpu.memory_space<semaphore_mem>>) src(%arg12 : memref<128x128xf32, #tpu.memory_space<vmem>>) dst(%dma_wait3A_84 : memref<10240x128xf32, #tpu.memory_space<vmem_shared>>)
        tpu.yield
      }) : () -> ()
      %mul3A_63 = arith.constant 2 : i32
      %mul3A_64 = arith.muli %mul3A_63, %while3A_46 : i32
      %add3A_65 = arith.constant 1 : i32
      %add3A_66 = arith.addi %mul3A_64, %add3A_65 : i32
      %add3A_67 = arith.constant 1 : i32
      %add3A_68 = arith.addi %add3A_66, %add3A_67 : i32
      %mul3A_69 = arith.constant 128 : i32
      %mul3A_70 = arith.muli %add3A_68, %mul3A_69 : i32
      %add3A_71 = arith.addi %mul3A_12, %mul3A_70 : i32
      %multiple_of3A_72 = tpu.assume_multiple %add3A_71, 128 : i32
      "tpu.region"() ({
        %run_scoped3A = tpu.sem_alloc : memref<!tpu.dma_semaphore, #tpu.memory_space<semaphore_mem>>
        %dma_start3A_79 = tpu.memref_slice %arg2[%multiple_of3A_72] : memref<323584xi32, #tpu.memory_space<hbm>> -> memref<128xi32, #tpu.memory_space<hbm>>
        %dma_start3A_80 = tpu.memref_slice %arg2[%multiple_of3A_72] : memref<323584xi32, #tpu.memory_space<hbm>> -> memref<128xi32, #tpu.memory_space<hbm>>
        tpu.enqueue_dma source(%dma_start3A_80 : memref<128xi32, #tpu.memory_space<hbm>>) target(%arg8 : memref<128xi32, #tpu.memory_space<vmem>>) target_semaphore(%run_scoped3A : memref<!tpu.dma_semaphore, #tpu.memory_space<semaphore_mem>>)
        %dma_wait3A_81 = tpu.memref_slice %arg2[%multiple_of3A_72] : memref<323584xi32, #tpu.memory_space<hbm>> -> memref<128xi32, #tpu.memory_space<hbm>>
        %dma_wait3A_82 = tpu.memref_slice %arg2[%multiple_of3A_72] : memref<323584xi32, #tpu.memory_space<hbm>> -> memref<128xi32, #tpu.memory_space<hbm>>
        tpu.wait_dma2 semaphore(%run_scoped3A : memref<!tpu.dma_semaphore, #tpu.memory_space<semaphore_mem>>) src(%dma_wait3A_82 : memref<128xi32, #tpu.memory_space<hbm>>) dst(%arg8 : memref<128xi32, #tpu.memory_space<vmem>>)
        tpu.yield
      }) : () -> ()
      "tpu.region"() ({
        %run_scoped3A = tpu.sem_alloc : memref<!tpu.dma_semaphore, #tpu.memory_space<semaphore_mem>>
        %dma_start3A_79 = tpu.memref_slice %arg3[%multiple_of3A_72] : memref<323584xi32, #tpu.memory_space<hbm>> -> memref<128xi32, #tpu.memory_space<hbm>>
        %dma_start3A_80 = tpu.memref_slice %arg3[%multiple_of3A_72] : memref<323584xi32, #tpu.memory_space<hbm>> -> memref<128xi32, #tpu.memory_space<hbm>>
        tpu.enqueue_dma source(%dma_start3A_80 : memref<128xi32, #tpu.memory_space<hbm>>) target(%arg10 : memref<128xi32, #tpu.memory_space<vmem>>) target_semaphore(%run_scoped3A : memref<!tpu.dma_semaphore, #tpu.memory_space<semaphore_mem>>)
        %dma_wait3A_81 = tpu.memref_slice %arg3[%multiple_of3A_72] : memref<323584xi32, #tpu.memory_space<hbm>> -> memref<128xi32, #tpu.memory_space<hbm>>
        %dma_wait3A_82 = tpu.memref_slice %arg3[%multiple_of3A_72] : memref<323584xi32, #tpu.memory_space<hbm>> -> memref<128xi32, #tpu.memory_space<hbm>>
        tpu.wait_dma2 semaphore(%run_scoped3A : memref<!tpu.dma_semaphore, #tpu.memory_space<semaphore_mem>>) src(%dma_wait3A_82 : memref<128xi32, #tpu.memory_space<hbm>>) dst(%arg10 : memref<128xi32, #tpu.memory_space<vmem>>)
        tpu.yield
      }) : () -> ()
      %dma_start3A_73 = arith.constant 0 : i32
      %dma_start3A_74 = arith.constant 0 : i32
      %dma_start3A_75 = tpu.memref_slice %arg4[%dma_start3A_73, %dma_start3A_74] : memref<10240x128xf32, #tpu.memory_space<hbm>> -> memref<10240x128xf32, #tpu.memory_space<hbm>>
      tpu.enqueue_indirect_dma source(%dma_start3A_75 : memref<10240x128xf32, #tpu.memory_space<hbm>>) target(%arg12 : memref<128x128xf32, #tpu.memory_space<vmem>>) offsets(%arg8 : memref<128xi32, #tpu.memory_space<vmem>>) semaphore(%arg14 : memref<!tpu.dma_semaphore, #tpu.memory_space<semaphore_mem>>)
      %dma_wait3A_76 = arith.constant 0 : i32
      %dma_wait3A_77 = arith.constant 0 : i32
      %dma_wait3A_78 = tpu.memref_slice %arg4[%dma_wait3A_76, %dma_wait3A_77] : memref<10240x128xf32, #tpu.memory_space<hbm>> -> memref<10240x128xf32, #tpu.memory_space<hbm>>
      tpu.wait_indirect_dma semaphore(%arg15 : memref<!tpu.dma_semaphore, #tpu.memory_space<semaphore_mem>>) src(%dma_wait3A_78 : memref<10240x128xf32, #tpu.memory_space<hbm>>) dst(%arg13 : memref<128x128xf32, #tpu.memory_space<vmem>>)
      "tpu.region"() ({
        %run_scoped3A = tpu.sem_alloc : memref<!tpu.dma_semaphore, #tpu.memory_space<semaphore_mem>>
        %dma_start3A_79 = arith.constant 0 : i32
        %dma_start3A_80 = arith.constant 0 : i32
        %dma_start3A_81 = tpu.memref_slice %arg7[%dma_start3A_79, %dma_start3A_80] : memref<10240x128xf32, #tpu.memory_space<vmem_shared>> -> memref<10240x128xf32, #tpu.memory_space<vmem_shared>>
        tpu.enqueue_indirect_dma source(%arg13 : memref<128x128xf32, #tpu.memory_space<vmem>>) target(%dma_start3A_81 : memref<10240x128xf32, #tpu.memory_space<vmem_shared>>) offsets(%arg11 : memref<128xi32, #tpu.memory_space<vmem>>) semaphore(%run_scoped3A : memref<!tpu.dma_semaphore, #tpu.memory_space<semaphore_mem>>) {add = true}
        %dma_wait3A_82 = arith.constant 0 : i32
        %dma_wait3A_83 = arith.constant 0 : i32
        %dma_wait3A_84 = tpu.memref_slice %arg7[%dma_wait3A_82, %dma_wait3A_83] : memref<10240x128xf32, #tpu.memory_space<vmem_shared>> -> memref<10240x128xf32, #tpu.memory_space<vmem_shared>>
        tpu.wait_indirect_dma semaphore(%run_scoped3A : memref<!tpu.dma_semaphore, #tpu.memory_space<semaphore_mem>>) src(%arg13 : memref<128x128xf32, #tpu.memory_space<vmem>>) dst(%dma_wait3A_84 : memref<10240x128xf32, #tpu.memory_space<vmem_shared>>)
        tpu.yield
      }) : () -> ()
    }
    %while3A_28 = arith.constant 1 : i32
    scf.for %while3A_46 = %while3A_26 to %while3A_22 step %while3A_28  : i32 {
      %mul3A_47 = arith.constant 2 : i32
      %mul3A_48 = arith.muli %mul3A_47, %while3A_46 : i32
      %add3A_49 = arith.constant 1 : i32
      %add3A_50 = arith.addi %mul3A_48, %add3A_49 : i32
      %add3A_51 = arith.constant 0 : i32
      %add3A_52 = arith.addi %add3A_50, %add3A_51 : i32
      %mul3A_53 = arith.constant 128 : i32
      %mul3A_54 = arith.muli %add3A_52, %mul3A_53 : i32
      %add3A_55 = arith.addi %mul3A_12, %mul3A_54 : i32
      %multiple_of3A_56 = tpu.assume_multiple %add3A_55, 128 : i32
      "tpu.region"() ({
        %run_scoped3A = tpu.sem_alloc : memref<!tpu.dma_semaphore, #tpu.memory_space<semaphore_mem>>
        %dma_start3A_79 = tpu.memref_slice %arg2[%multiple_of3A_56] : memref<323584xi32, #tpu.memory_space<hbm>> -> memref<128xi32, #tpu.memory_space<hbm>>
        %dma_start3A_80 = tpu.memref_slice %arg2[%multiple_of3A_56] : memref<323584xi32, #tpu.memory_space<hbm>> -> memref<128xi32, #tpu.memory_space<hbm>>
        tpu.enqueue_dma source(%dma_start3A_80 : memref<128xi32, #tpu.memory_space<hbm>>) target(%arg9 : memref<128xi32, #tpu.memory_space<vmem>>) target_semaphore(%run_scoped3A : memref<!tpu.dma_semaphore, #tpu.memory_space<semaphore_mem>>)
        %dma_wait3A_81 = tpu.memref_slice %arg2[%multiple_of3A_56] : memref<323584xi32, #tpu.memory_space<hbm>> -> memref<128xi32, #tpu.memory_space<hbm>>
        %dma_wait3A_82 = tpu.memref_slice %arg2[%multiple_of3A_56] : memref<323584xi32, #tpu.memory_space<hbm>> -> memref<128xi32, #tpu.memory_space<hbm>>
        tpu.wait_dma2 semaphore(%run_scoped3A : memref<!tpu.dma_semaphore, #tpu.memory_space<semaphore_mem>>) src(%dma_wait3A_82 : memref<128xi32, #tpu.memory_space<hbm>>) dst(%arg9 : memref<128xi32, #tpu.memory_space<vmem>>)
        tpu.yield
      }) : () -> ()
      "tpu.region"() ({
        %run_scoped3A = tpu.sem_alloc : memref<!tpu.dma_semaphore, #tpu.memory_space<semaphore_mem>>
        %dma_start3A_79 = tpu.memref_slice %arg3[%multiple_of3A_56] : memref<323584xi32, #tpu.memory_space<hbm>> -> memref<128xi32, #tpu.memory_space<hbm>>
        %dma_start3A_80 = tpu.memref_slice %arg3[%multiple_of3A_56] : memref<323584xi32, #tpu.memory_space<hbm>> -> memref<128xi32, #tpu.memory_space<hbm>>
        tpu.enqueue_dma source(%dma_start3A_80 : memref<128xi32, #tpu.memory_space<hbm>>) target(%arg11 : memref<128xi32, #tpu.memory_space<vmem>>) target_semaphore(%run_scoped3A : memref<!tpu.dma_semaphore, #tpu.memory_space<semaphore_mem>>)
        %dma_wait3A_81 = tpu.memref_slice %arg3[%multiple_of3A_56] : memref<323584xi32, #tpu.memory_space<hbm>> -> memref<128xi32, #tpu.memory_space<hbm>>
        %dma_wait3A_82 = tpu.memref_slice %arg3[%multiple_of3A_56] : memref<323584xi32, #tpu.memory_space<hbm>> -> memref<128xi32, #tpu.memory_space<hbm>>
        tpu.wait_dma2 semaphore(%run_scoped3A : memref<!tpu.dma_semaphore, #tpu.memory_space<semaphore_mem>>) src(%dma_wait3A_82 : memref<128xi32, #tpu.memory_space<hbm>>) dst(%arg11 : memref<128xi32, #tpu.memory_space<vmem>>)
        tpu.yield
      }) : () -> ()
      %dma_start3A_57 = arith.constant 0 : i32
      %dma_start3A_58 = arith.constant 0 : i32
      %dma_start3A_59 = tpu.memref_slice %arg4[%dma_start3A_57, %dma_start3A_58] : memref<10240x128xf32, #tpu.memory_space<hbm>> -> memref<10240x128xf32, #tpu.memory_space<hbm>>
      tpu.enqueue_indirect_dma source(%dma_start3A_59 : memref<10240x128xf32, #tpu.memory_space<hbm>>) target(%arg13 : memref<128x128xf32, #tpu.memory_space<vmem>>) offsets(%arg9 : memref<128xi32, #tpu.memory_space<vmem>>) semaphore(%arg15 : memref<!tpu.dma_semaphore, #tpu.memory_space<semaphore_mem>>)
      %dma_wait3A_60 = arith.constant 0 : i32
      %dma_wait3A_61 = arith.constant 0 : i32
      %dma_wait3A_62 = tpu.memref_slice %arg4[%dma_wait3A_60, %dma_wait3A_61] : memref<10240x128xf32, #tpu.memory_space<hbm>> -> memref<10240x128xf32, #tpu.memory_space<hbm>>
      tpu.wait_indirect_dma semaphore(%arg14 : memref<!tpu.dma_semaphore, #tpu.memory_space<semaphore_mem>>) src(%dma_wait3A_62 : memref<10240x128xf32, #tpu.memory_space<hbm>>) dst(%arg12 : memref<128x128xf32, #tpu.memory_space<vmem>>)
      "tpu.region"() ({
        %run_scoped3A = tpu.sem_alloc : memref<!tpu.dma_semaphore, #tpu.memory_space<semaphore_mem>>
        %dma_start3A_79 = arith.constant 0 : i32
        %dma_start3A_80 = arith.constant 0 : i32
        %dma_start3A_81 = tpu.memref_slice %arg7[%dma_start3A_79, %dma_start3A_80] : memref<10240x128xf32, #tpu.memory_space<vmem_shared>> -> memref<10240x128xf32, #tpu.memory_space<vmem_shared>>
        tpu.enqueue_indirect_dma source(%arg12 : memref<128x128xf32, #tpu.memory_space<vmem>>) target(%dma_start3A_81 : memref<10240x128xf32, #tpu.memory_space<vmem_shared>>) offsets(%arg10 : memref<128xi32, #tpu.memory_space<vmem>>) semaphore(%run_scoped3A : memref<!tpu.dma_semaphore, #tpu.memory_space<semaphore_mem>>) {add = true}
        %dma_wait3A_82 = arith.constant 0 : i32
        %dma_wait3A_83 = arith.constant 0 : i32
        %dma_wait3A_84 = tpu.memref_slice %arg7[%dma_wait3A_82, %dma_wait3A_83] : memref<10240x128xf32, #tpu.memory_space<vmem_shared>> -> memref<10240x128xf32, #tpu.memory_space<vmem_shared>>
        tpu.wait_indirect_dma semaphore(%run_scoped3A : memref<!tpu.dma_semaphore, #tpu.memory_space<semaphore_mem>>) src(%arg12 : memref<128x128xf32, #tpu.memory_space<vmem>>) dst(%dma_wait3A_84 : memref<10240x128xf32, #tpu.memory_space<vmem_shared>>)
        tpu.yield
      }) : () -> ()
      %mul3A_63 = arith.constant 2 : i32
      %mul3A_64 = arith.muli %mul3A_63, %while3A_46 : i32
      %add3A_65 = arith.constant 1 : i32
      %add3A_66 = arith.addi %mul3A_64, %add3A_65 : i32
      %add3A_67 = arith.constant 1 : i32
      %add3A_68 = arith.addi %add3A_66, %add3A_67 : i32
      %mul3A_69 = arith.constant 128 : i32
      %mul3A_70 = arith.muli %add3A_68, %mul3A_69 : i32
      %add3A_71 = arith.addi %mul3A_12, %mul3A_70 : i32
      %multiple_of3A_72 = tpu.assume_multiple %add3A_71, 128 : i32
      "tpu.region"() ({
        %run_scoped3A = tpu.sem_alloc : memref<!tpu.dma_semaphore, #tpu.memory_space<semaphore_mem>>
        %dma_start3A_79 = tpu.memref_slice %arg2[%multiple_of3A_72] : memref<323584xi32, #tpu.memory_space<hbm>> -> memref<128xi32, #tpu.memory_space<hbm>>
        %dma_start3A_80 = tpu.memref_slice %arg2[%multiple_of3A_72] : memref<323584xi32, #tpu.memory_space<hbm>> -> memref<128xi32, #tpu.memory_space<hbm>>
        tpu.enqueue_dma source(%dma_start3A_80 : memref<128xi32, #tpu.memory_space<hbm>>) target(%arg8 : memref<128xi32, #tpu.memory_space<vmem>>) target_semaphore(%run_scoped3A : memref<!tpu.dma_semaphore, #tpu.memory_space<semaphore_mem>>)
        %dma_wait3A_81 = tpu.memref_slice %arg2[%multiple_of3A_72] : memref<323584xi32, #tpu.memory_space<hbm>> -> memref<128xi32, #tpu.memory_space<hbm>>
        %dma_wait3A_82 = tpu.memref_slice %arg2[%multiple_of3A_72] : memref<323584xi32, #tpu.memory_space<hbm>> -> memref<128xi32, #tpu.memory_space<hbm>>
        tpu.wait_dma2 semaphore(%run_scoped3A : memref<!tpu.dma_semaphore, #tpu.memory_space<semaphore_mem>>) src(%dma_wait3A_82 : memref<128xi32, #tpu.memory_space<hbm>>) dst(%arg8 : memref<128xi32, #tpu.memory_space<vmem>>)
        tpu.yield
      }) : () -> ()
      "tpu.region"() ({
        %run_scoped3A = tpu.sem_alloc : memref<!tpu.dma_semaphore, #tpu.memory_space<semaphore_mem>>
        %dma_start3A_79 = tpu.memref_slice %arg3[%multiple_of3A_72] : memref<323584xi32, #tpu.memory_space<hbm>> -> memref<128xi32, #tpu.memory_space<hbm>>
        %dma_start3A_80 = tpu.memref_slice %arg3[%multiple_of3A_72] : memref<323584xi32, #tpu.memory_space<hbm>> -> memref<128xi32, #tpu.memory_space<hbm>>
        tpu.enqueue_dma source(%dma_start3A_80 : memref<128xi32, #tpu.memory_space<hbm>>) target(%arg10 : memref<128xi32, #tpu.memory_space<vmem>>) target_semaphore(%run_scoped3A : memref<!tpu.dma_semaphore, #tpu.memory_space<semaphore_mem>>)
        %dma_wait3A_81 = tpu.memref_slice %arg3[%multiple_of3A_72] : memref<323584xi32, #tpu.memory_space<hbm>> -> memref<128xi32, #tpu.memory_space<hbm>>
        %dma_wait3A_82 = tpu.memref_slice %arg3[%multiple_of3A_72] : memref<323584xi32, #tpu.memory_space<hbm>> -> memref<128xi32, #tpu.memory_space<hbm>>
        tpu.wait_dma2 semaphore(%run_scoped3A : memref<!tpu.dma_semaphore, #tpu.memory_space<semaphore_mem>>) src(%dma_wait3A_82 : memref<128xi32, #tpu.memory_space<hbm>>) dst(%arg10 : memref<128xi32, #tpu.memory_space<vmem>>)
        tpu.yield
      }) : () -> ()
      %dma_start3A_73 = arith.constant 0 : i32
      %dma_start3A_74 = arith.constant 0 : i32
      %dma_start3A_75 = tpu.memref_slice %arg4[%dma_start3A_73, %dma_start3A_74] : memref<10240x128xf32, #tpu.memory_space<hbm>> -> memref<10240x128xf32, #tpu.memory_space<hbm>>
      tpu.enqueue_indirect_dma source(%dma_start3A_75 : memref<10240x128xf32, #tpu.memory_space<hbm>>) target(%arg12 : memref<128x128xf32, #tpu.memory_space<vmem>>) offsets(%arg8 : memref<128xi32, #tpu.memory_space<vmem>>) semaphore(%arg14 : memref<!tpu.dma_semaphore, #tpu.memory_space<semaphore_mem>>)
      %dma_wait3A_76 = arith.constant 0 : i32
      %dma_wait3A_77 = arith.constant 0 : i32
      %dma_wait3A_78 = tpu.memref_slice %arg4[%dma_wait3A_76, %dma_wait3A_77] : memref<10240x128xf32, #tpu.memory_space<hbm>> -> memref<10240x128xf32, #tpu.memory_space<hbm>>
      tpu.wait_indirect_dma semaphore(%arg15 : memref<!tpu.dma_semaphore, #tpu.memory_space<semaphore_mem>>) src(%dma_wait3A_78 : memref<10240x128xf32, #tpu.memory_space<hbm>>) dst(%arg13 : memref<128x128xf32, #tpu.memory_space<vmem>>)
      "tpu.region"() ({
        %run_scoped3A = tpu.sem_alloc : memref<!tpu.dma_semaphore, #tpu.memory_space<semaphore_mem>>
        %dma_start3A_79 = arith.constant 0 : i32
        %dma_start3A_80 = arith.constant 0 : i32
        %dma_start3A_81 = tpu.memref_slice %arg7[%dma_start3A_79, %dma_start3A_80] : memref<10240x128xf32, #tpu.memory_space<vmem_shared>> -> memref<10240x128xf32, #tpu.memory_space<vmem_shared>>
        tpu.enqueue_indirect_dma source(%arg13 : memref<128x128xf32, #tpu.memory_space<vmem>>) target(%dma_start3A_81 : memref<10240x128xf32, #tpu.memory_space<vmem_shared>>) offsets(%arg11 : memref<128xi32, #tpu.memory_space<vmem>>) semaphore(%run_scoped3A : memref<!tpu.dma_semaphore, #tpu.memory_space<semaphore_mem>>) {add = true}
        %dma_wait3A_82 = arith.constant 0 : i32
        %dma_wait3A_83 = arith.constant 0 : i32
        %dma_wait3A_84 = tpu.memref_slice %arg7[%dma_wait3A_82, %dma_wait3A_83] : memref<10240x128xf32, #tpu.memory_space<vmem_shared>> -> memref<10240x128xf32, #tpu.memory_space<vmem_shared>>
        tpu.wait_indirect_dma semaphore(%run_scoped3A : memref<!tpu.dma_semaphore, #tpu.memory_space<semaphore_mem>>) src(%arg13 : memref<128x128xf32, #tpu.memory_space<vmem>>) dst(%dma_wait3A_84 : memref<10240x128xf32, #tpu.memory_space<vmem_shared>>)
        tpu.yield
      }) : () -> ()
    }
    %sub3A = arith.constant 1 : i32
    %sub3A_29 = arith.subi %select_n3A, %sub3A : i32
    %mul3A_30 = arith.constant 128 : i32
    %mul3A_31 = arith.muli %sub3A_29, %mul3A_30 : i32
    %add3A_32 = arith.addi %mul3A_12, %mul3A_31 : i32
    %multiple_of3A_33 = tpu.assume_multiple %add3A_32, 128 : i32
    "tpu.region"() ({
      %run_scoped3A = tpu.sem_alloc : memref<!tpu.dma_semaphore, #tpu.memory_space<semaphore_mem>>
      %dma_start3A_46 = tpu.memref_slice %arg2[%multiple_of3A_33] : memref<323584xi32, #tpu.memory_space<hbm>> -> memref<128xi32, #tpu.memory_space<hbm>>
      %dma_start3A_47 = tpu.memref_slice %arg2[%multiple_of3A_33] : memref<323584xi32, #tpu.memory_space<hbm>> -> memref<128xi32, #tpu.memory_space<hbm>>
      tpu.enqueue_dma source(%dma_start3A_47 : memref<128xi32, #tpu.memory_space<hbm>>) target(%arg9 : memref<128xi32, #tpu.memory_space<vmem>>) target_semaphore(%run_scoped3A : memref<!tpu.dma_semaphore, #tpu.memory_space<semaphore_mem>>)
      %dma_wait3A_48 = tpu.memref_slice %arg2[%multiple_of3A_33] : memref<323584xi32, #tpu.memory_space<hbm>> -> memref<128xi32, #tpu.memory_space<hbm>>
      %dma_wait3A_49 = tpu.memref_slice %arg2[%multiple_of3A_33] : memref<323584xi32, #tpu.memory_space<hbm>> -> memref<128xi32, #tpu.memory_space<hbm>>
      tpu.wait_dma2 semaphore(%run_scoped3A : memref<!tpu.dma_semaphore, #tpu.memory_space<semaphore_mem>>) src(%dma_wait3A_49 : memref<128xi32, #tpu.memory_space<hbm>>) dst(%arg9 : memref<128xi32, #tpu.memory_space<vmem>>)
      tpu.yield
    }) : () -> ()
    "tpu.region"() ({
      %run_scoped3A = tpu.sem_alloc : memref<!tpu.dma_semaphore, #tpu.memory_space<semaphore_mem>>
      %dma_start3A_46 = tpu.memref_slice %arg3[%multiple_of3A_33] : memref<323584xi32, #tpu.memory_space<hbm>> -> memref<128xi32, #tpu.memory_space<hbm>>
      %dma_start3A_47 = tpu.memref_slice %arg3[%multiple_of3A_33] : memref<323584xi32, #tpu.memory_space<hbm>> -> memref<128xi32, #tpu.memory_space<hbm>>
      tpu.enqueue_dma source(%dma_start3A_47 : memref<128xi32, #tpu.memory_space<hbm>>) target(%arg11 : memref<128xi32, #tpu.memory_space<vmem>>) target_semaphore(%run_scoped3A : memref<!tpu.dma_semaphore, #tpu.memory_space<semaphore_mem>>)
      %dma_wait3A_48 = tpu.memref_slice %arg3[%multiple_of3A_33] : memref<323584xi32, #tpu.memory_space<hbm>> -> memref<128xi32, #tpu.memory_space<hbm>>
      %dma_wait3A_49 = tpu.memref_slice %arg3[%multiple_of3A_33] : memref<323584xi32, #tpu.memory_space<hbm>> -> memref<128xi32, #tpu.memory_space<hbm>>
      tpu.wait_dma2 semaphore(%run_scoped3A : memref<!tpu.dma_semaphore, #tpu.memory_space<semaphore_mem>>) src(%dma_wait3A_49 : memref<128xi32, #tpu.memory_space<hbm>>) dst(%arg11 : memref<128xi32, #tpu.memory_space<vmem>>)
      tpu.yield
    }) : () -> ()
    %dma_start3A_34 = arith.constant 0 : i32
    %dma_start3A_35 = arith.constant 0 : i32
    %dma_start3A_36 = tpu.memref_slice %arg4[%dma_start3A_34, %dma_start3A_35] : memref<10240x128xf32, #tpu.memory_space<hbm>> -> memref<10240x128xf32, #tpu.memory_space<hbm>>
    tpu.enqueue_indirect_dma source(%dma_start3A_36 : memref<10240x128xf32, #tpu.memory_space<hbm>>) target(%arg13 : memref<128x128xf32, #tpu.memory_space<vmem>>) offsets(%arg9 : memref<128xi32, #tpu.memory_space<vmem>>) semaphore(%arg15 : memref<!tpu.dma_semaphore, #tpu.memory_space<semaphore_mem>>)
    %dma_wait3A = arith.constant 0 : i32
    %dma_wait3A_37 = arith.constant 0 : i32
    %dma_wait3A_38 = tpu.memref_slice %arg4[%dma_wait3A, %dma_wait3A_37] : memref<10240x128xf32, #tpu.memory_space<hbm>> -> memref<10240x128xf32, #tpu.memory_space<hbm>>
    tpu.wait_indirect_dma semaphore(%arg14 : memref<!tpu.dma_semaphore, #tpu.memory_space<semaphore_mem>>) src(%dma_wait3A_38 : memref<10240x128xf32, #tpu.memory_space<hbm>>) dst(%arg12 : memref<128x128xf32, #tpu.memory_space<vmem>>)
    "tpu.region"() ({
      %run_scoped3A = tpu.sem_alloc : memref<!tpu.dma_semaphore, #tpu.memory_space<semaphore_mem>>
      %dma_start3A_46 = arith.constant 0 : i32
      %dma_start3A_47 = arith.constant 0 : i32
      %dma_start3A_48 = tpu.memref_slice %arg7[%dma_start3A_46, %dma_start3A_47] : memref<10240x128xf32, #tpu.memory_space<vmem_shared>> -> memref<10240x128xf32, #tpu.memory_space<vmem_shared>>
      tpu.enqueue_indirect_dma source(%arg12 : memref<128x128xf32, #tpu.memory_space<vmem>>) target(%dma_start3A_48 : memref<10240x128xf32, #tpu.memory_space<vmem_shared>>) offsets(%arg10 : memref<128xi32, #tpu.memory_space<vmem>>) semaphore(%run_scoped3A : memref<!tpu.dma_semaphore, #tpu.memory_space<semaphore_mem>>) {add = true}
      %dma_wait3A_49 = arith.constant 0 : i32
      %dma_wait3A_50 = arith.constant 0 : i32
      %dma_wait3A_51 = tpu.memref_slice %arg7[%dma_wait3A_49, %dma_wait3A_50] : memref<10240x128xf32, #tpu.memory_space<vmem_shared>> -> memref<10240x128xf32, #tpu.memory_space<vmem_shared>>
      tpu.wait_indirect_dma semaphore(%run_scoped3A : memref<!tpu.dma_semaphore, #tpu.memory_space<semaphore_mem>>) src(%arg12 : memref<128x128xf32, #tpu.memory_space<vmem>>) dst(%dma_wait3A_51 : memref<10240x128xf32, #tpu.memory_space<vmem_shared>>)
      tpu.yield
    }) : () -> ()
    %dma_wait3A_39 = arith.constant 0 : i32
    %dma_wait3A_40 = arith.constant 0 : i32
    %dma_wait3A_41 = tpu.memref_slice %arg4[%dma_wait3A_39, %dma_wait3A_40] : memref<10240x128xf32, #tpu.memory_space<hbm>> -> memref<10240x128xf32, #tpu.memory_space<hbm>>
    tpu.wait_indirect_dma semaphore(%arg15 : memref<!tpu.dma_semaphore, #tpu.memory_space<semaphore_mem>>) src(%dma_wait3A_41 : memref<10240x128xf32, #tpu.memory_space<hbm>>) dst(%arg13 : memref<128x128xf32, #tpu.memory_space<vmem>>)
    "tpu.region"() ({
      %run_scoped3A = tpu.sem_alloc : memref<!tpu.dma_semaphore, #tpu.memory_space<semaphore_mem>>
      %dma_start3A_46 = arith.constant 0 : i32
      %dma_start3A_47 = arith.constant 0 : i32
      %dma_start3A_48 = tpu.memref_slice %arg7[%dma_start3A_46, %dma_start3A_47] : memref<10240x128xf32, #tpu.memory_space<vmem_shared>> -> memref<10240x128xf32, #tpu.memory_space<vmem_shared>>
      tpu.enqueue_indirect_dma source(%arg13 : memref<128x128xf32, #tpu.memory_space<vmem>>) target(%dma_start3A_48 : memref<10240x128xf32, #tpu.memory_space<vmem_shared>>) offsets(%arg11 : memref<128xi32, #tpu.memory_space<vmem>>) semaphore(%run_scoped3A : memref<!tpu.dma_semaphore, #tpu.memory_space<semaphore_mem>>) {add = true}
      %dma_wait3A_49 = arith.constant 0 : i32
      %dma_wait3A_50 = arith.constant 0 : i32
      %dma_wait3A_51 = tpu.memref_slice %arg7[%dma_wait3A_49, %dma_wait3A_50] : memref<10240x128xf32, #tpu.memory_space<vmem_shared>> -> memref<10240x128xf32, #tpu.memory_space<vmem_shared>>
      tpu.wait_indirect_dma semaphore(%run_scoped3A : memref<!tpu.dma_semaphore, #tpu.memory_space<semaphore_mem>>) src(%arg13 : memref<128x128xf32, #tpu.memory_space<vmem>>) dst(%dma_wait3A_51 : memref<10240x128xf32, #tpu.memory_space<vmem_shared>>)
      tpu.yield
    }) : () -> ()
    %barrier3A_42 = arith.constant 0 : index
    tpu.barrier barrier_id(%barrier3A_42)
    %mul3A_43 = arith.constant 640 : i32
    %mul3A_44 = arith.muli %arg1, %mul3A_43 : i32
    %multiple_of3A_45 = tpu.assume_multiple %mul3A_44, 640 : i32
    "tpu.region"() ({
      %run_scoped3A = tpu.sem_alloc : memref<!tpu.dma_semaphore, #tpu.memory_space<semaphore_mem>>
      %dma_start3A_46 = arith.constant 0 : i32
      %dma_start3A_47 = tpu.memref_slice %arg6[%arg0, %multiple_of3A_45, %dma_start3A_46] : memref<2x10240x128xf32, #tpu.memory_space<hbm>> -> memref<1x640x128xf32, #tpu.memory_space<hbm>>
      %dma_start3A_48 = tpu.memref_squeeze %dma_start3A_47 : memref<1x640x128xf32, #tpu.memory_space<hbm>> -> memref<640x128xf32, #tpu.memory_space<hbm>>
      %dma_start3A_49 = arith.constant 0 : i32
      %dma_start3A_50 = tpu.memref_slice %arg7[%multiple_of3A_45, %dma_start3A_49] : memref<10240x128xf32, #tpu.memory_space<vmem_shared>> -> memref<640x128xf32, #tpu.memory_space<vmem_shared>>
      tpu.enqueue_dma source(%dma_start3A_50 : memref<640x128xf32, #tpu.memory_space<vmem_shared>>) target(%dma_start3A_48 : memref<640x128xf32, #tpu.memory_space<hbm>>) target_semaphore(%run_scoped3A : memref<!tpu.dma_semaphore, #tpu.memory_space<semaphore_mem>>)
      %dma_wait3A_51 = arith.constant 0 : i32
      %dma_wait3A_52 = tpu.memref_slice %arg6[%arg0, %multiple_of3A_45, %dma_wait3A_51] : memref<2x10240x128xf32, #tpu.memory_space<hbm>> -> memref<1x640x128xf32, #tpu.memory_space<hbm>>
      %dma_wait3A_53 = tpu.memref_squeeze %dma_wait3A_52 : memref<1x640x128xf32, #tpu.memory_space<hbm>> -> memref<640x128xf32, #tpu.memory_space<hbm>>
      %dma_wait3A_54 = arith.constant 0 : i32
      %dma_wait3A_55 = tpu.memref_slice %arg7[%multiple_of3A_45, %dma_wait3A_54] : memref<10240x128xf32, #tpu.memory_space<vmem_shared>> -> memref<640x128xf32, #tpu.memory_space<vmem_shared>>
      tpu.wait_dma2 semaphore(%run_scoped3A : memref<!tpu.dma_semaphore, #tpu.memory_space<semaphore_mem>>) src(%dma_wait3A_55 : memref<640x128xf32, #tpu.memory_space<vmem_shared>>) dst(%dma_wait3A_53 : memref<640x128xf32, #tpu.memory_space<hbm>>)
      tpu.yield
    }) : () -> ()
    return
  }
}

module attributes {stable_mosaic.version = 14 : i64} {
  func.func @_tc_first_body(%arg0: i32, %arg1: memref<1000x2xf32, #tpu.memory_space<vmem>>, %arg2: memref<1000x128xf32, #tpu.memory_space<vmem>>, %arg3: memref<128x128xf32, #tpu.memory_space<vmem>>, %arg4: memref<1000x128xf32, #tpu.memory_space<vmem>>) attributes {dimension_semantics = [#tpu.dimension_semantics<arbitrary>], iteration_bounds = array<i64: 10>, scalar_prefetch = 0 : i64, scratch_operands = 0 : i64, tpu.core_type = #tpu.core_type<tc>, window_params = [{transform_indices = @transform_0, window_bounds = array<i64: 1000, 2>}, {transform_indices = @transform_1, window_bounds = array<i64: 1000, 128>}, {pipeline_mode = #tpu.pipeline_mode<synchronous>, transform_indices = @transform_2, window_bounds = array<i64: 128, 128>}, {transform_indices = @transform_3, window_bounds = array<i64: 1000, 128>}]} {
    %get3A = arith.constant 0 : index
    %get3A_0 = arith.constant 0 : index
    %get3A_1 = vector.load %arg1[%get3A, %get3A_0] : memref<1000x2xf32, #tpu.memory_space<vmem>>, vector<1000x2xf32>
    %slice3A = vector.extract_strided_slice %get3A_1 {offsets = [0, 0], sizes = [1000, 1], strides = [1, 1]} : vector<1000x2xf32> to vector<1000x1xf32>
    %slice3A_2 = vector.extract_strided_slice %get3A_1 {offsets = [0, 1], sizes = [1000, 1], strides = [1, 1]} : vector<1000x2xf32> to vector<1000x1xf32>
    %add3A = arith.addf %slice3A, %slice3A_2 : vector<1000x1xf32>
    %add3A_3 = arith.constant 1.000000e+00 : f32
    %add3A_4 = vector.broadcast %add3A_3 : f32 to vector<1000x1xf32>
    %add3A_5 = arith.addf %add3A, %add3A_4 : vector<1000x1xf32>
    %rsqrt3A = math.rsqrt %add3A_5 : vector<1000x1xf32>
    %get3A_6 = arith.constant 0 : index
    %get3A_7 = arith.constant 0 : index
    %get3A_8 = vector.load %arg2[%get3A_6, %get3A_7] : memref<1000x128xf32, #tpu.memory_space<vmem>>, vector<1000x128xf32>
    %get3A_9 = arith.constant 0 : index
    %get3A_10 = arith.constant 0 : index
    %get3A_11 = vector.load %arg3[%get3A_9, %get3A_10] : memref<128x128xf32, #tpu.memory_space<vmem>>, vector<128x128xf32>
    %dot_general3A = arith.constant dense<0.000000e+00> : vector<1000x128xf32>
    %dot_general3A_12 = tpu.matmul %get3A_8, %get3A_11, %dot_general3A {dimension_numbers = #tpu.dot_dimension_numbers<[1], [0], [0], [1], [0, 0, 1, 1], [], []>, transpose_lhs_hint = false} : vector<1000x128xf32>, vector<128x128xf32>, vector<1000x128xf32> -> vector<1000x128xf32>
    %mul3A = vector.broadcast %rsqrt3A : vector<1000x1xf32> to vector<1000x128xf32>
    %mul3A_13 = arith.mulf %dot_general3A_12, %mul3A : vector<1000x128xf32>
    %swap3A = arith.constant 0 : index
    %swap3A_14 = arith.constant 0 : index
    %swap3A_15 = vector.load %arg4[%swap3A, %swap3A_14] : memref<1000x128xf32, #tpu.memory_space<vmem>>, vector<1000x128xf32>
    tpu.vector_store %arg4[%swap3A, %swap3A_14], %mul3A_13 {strides = array<i32>} : memref<1000x128xf32, #tpu.memory_space<vmem>>, vector<1000x128xf32>,
    return
  }
  func.func @transform_0(%arg0: i32) -> (i32, i32) {
    %c0_i32 = arith.constant 0 : i32
    %c0_i32_0 = arith.constant 0 : i32
    return %arg0, %c0_i32 : i32, i32
  }
  func.func @transform_1(%arg0: i32) -> (i32, i32) {
    %c0_i32 = arith.constant 0 : i32
    %c0_i32_0 = arith.constant 0 : i32
    return %arg0, %c0_i32 : i32, i32
  }
  func.func @transform_2(%arg0: i32) -> (i32, i32) {
    %c0_i32 = arith.constant 0 : i32
    %c0_i32_0 = arith.constant 0 : i32
    %c0_i32_1 = arith.constant 0 : i32
    return %c0_i32, %c0_i32_0 : i32, i32
  }
  func.func @transform_3(%arg0: i32) -> (i32, i32) {
    %c0_i32 = arith.constant 0 : i32
    %c0_i32_0 = arith.constant 0 : i32
    return %arg0, %c0_i32 : i32, i32
  }
}

module attributes {stable_mosaic.version = 14 : i64} {
  func.func @_tc_mid_body(%arg0: i32, %arg1: memref<1024x2xf32, #tpu.memory_space<vmem>>, %arg2: memref<2x1024x128xf32, #tpu.memory_space<vmem>>, %arg3: memref<1024x128xf32, #tpu.memory_space<vmem>>, %arg4: memref<1x128xf32, #tpu.memory_space<vmem>>, %arg5: memref<1024x128xf32, #tpu.memory_space<vmem>>) attributes {dimension_semantics = [#tpu.dimension_semantics<arbitrary>], iteration_bounds = array<i64: 10>, scalar_prefetch = 0 : i64, scratch_operands = 0 : i64, tpu.core_type = #tpu.core_type<tc>, window_params = [{transform_indices = @transform_0, window_bounds = array<i64: 1024, 2>}, {transform_indices = @transform_1, window_bounds = array<i64: 2, 1024, 128>}, {transform_indices = @transform_2, window_bounds = array<i64: 1024, 128>}, {pipeline_mode = #tpu.pipeline_mode<synchronous>, transform_indices = @transform_3, window_bounds = array<i64: 1, 128>}, {transform_indices = @transform_4, window_bounds = array<i64: 1024, 128>}]} {
    %get3A = arith.constant 0 : index
    %get3A_0 = arith.constant 0 : index
    %get3A_1 = vector.load %arg1[%get3A, %get3A_0] : memref<1024x2xf32, #tpu.memory_space<vmem>>, vector<1024x2xf32>
    %slice3A = vector.extract_strided_slice %get3A_1 {offsets = [0, 0], sizes = [1024, 1], strides = [1, 1]} : vector<1024x2xf32> to vector<1024x1xf32>
    %slice3A_2 = vector.extract_strided_slice %get3A_1 {offsets = [0, 1], sizes = [1024, 1], strides = [1, 1]} : vector<1024x2xf32> to vector<1024x1xf32>
    %add3A = arith.addf %slice3A, %slice3A_2 : vector<1024x1xf32>
    %add3A_3 = arith.constant 1.000000e+00 : f32
    %add3A_4 = vector.broadcast %add3A_3 : f32 to vector<1024x1xf32>
    %add3A_5 = arith.addf %add3A, %add3A_4 : vector<1024x1xf32>
    %iota3A = tpu.iota {dimensions = array<i32: 0>} : vector<1024x1xi32>
    %mul3A = arith.constant 1024 : i32
    %mul3A_6 = arith.muli %arg0, %mul3A : i32
    %add3A_7 = vector.broadcast %mul3A_6 : i32 to vector<1024x1xi32>
    %add3A_8 = arith.addi %iota3A, %add3A_7 : vector<1024x1xi32>
    %lt3A = arith.constant 10000 : i32
    %lt3A_9 = vector.broadcast %lt3A : i32 to vector<1024x1xi32>
    %lt3A_10 = arith.cmpi slt, %add3A_8, %lt3A_9 : vector<1024x1xi32>
    %rsqrt3A = math.rsqrt %add3A_5 : vector<1024x1xf32>
    %jit3A = arith.constant 0.000000e+00 : f32
    %broadcast_in_dim3A = vector.broadcast %jit3A : f32 to vector<1024x1xf32>
    %select_n3A = arith.select %lt3A_10, %rsqrt3A, %broadcast_in_dim3A : vector<1024x1xi1>, vector<1024x1xf32>
    %get3A_11 = arith.constant 0 : index
    %get3A_12 = arith.constant 0 : index
    %get3A_13 = arith.constant 0 : index
    %get3A_14 = vector.load %arg2[%get3A_11, %get3A_12, %get3A_13] : memref<2x1024x128xf32, #tpu.memory_space<vmem>>, vector<1x1024x128xf32>
    %get3A_15 = vector.shape_cast %get3A_14 : vector<1x1024x128xf32> to vector<1024x128xf32>
    %get3A_16 = arith.constant 1 : index
    %get3A_17 = arith.constant 0 : index
    %get3A_18 = arith.constant 0 : index
    %get3A_19 = vector.load %arg2[%get3A_16, %get3A_17, %get3A_18] : memref<2x1024x128xf32, #tpu.memory_space<vmem>>, vector<1x1024x128xf32>
    %get3A_20 = vector.shape_cast %get3A_19 : vector<1x1024x128xf32> to vector<1024x128xf32>
    %add3A_21 = arith.addf %get3A_15, %get3A_20 : vector<1024x128xf32>
    %get3A_22 = arith.constant 0 : index
    %get3A_23 = arith.constant 0 : index
    %get3A_24 = vector.load %arg3[%get3A_22, %get3A_23] : memref<1024x128xf32, #tpu.memory_space<vmem>>, vector<1024x128xf32>
    %add3A_25 = arith.addf %add3A_21, %get3A_24 : vector<1024x128xf32>
    %mul3A_26 = vector.broadcast %select_n3A : vector<1024x1xf32> to vector<1024x128xf32>
    %mul3A_27 = arith.mulf %mul3A_26, %add3A_25 : vector<1024x128xf32>
    %get3A_28 = arith.constant 0 : index
    %get3A_29 = arith.constant 0 : index
    %get3A_30 = vector.load %arg4[%get3A_28, %get3A_29] : memref<1x128xf32, #tpu.memory_space<vmem>>, vector<1x128xf32>
    %add3A_31 = vector.broadcast %get3A_30 : vector<1x128xf32> to vector<1024x128xf32>
    %add3A_32 = arith.addf %mul3A_27, %add3A_31 : vector<1024x128xf32>
    %max3A = arith.constant 0.000000e+00 : f32
    %max3A_33 = vector.broadcast %max3A : f32 to vector<1024x128xf32>
    %max3A_34 = arith.maximumf %add3A_32, %max3A_33 : vector<1024x128xf32>
    %mul3A_35 = vector.broadcast %select_n3A : vector<1024x1xf32> to vector<1024x128xf32>
    %mul3A_36 = arith.mulf %mul3A_35, %max3A_34 : vector<1024x128xf32>
    %swap3A = arith.constant 0 : index
    %swap3A_37 = arith.constant 0 : index
    %swap3A_38 = vector.load %arg5[%swap3A, %swap3A_37] : memref<1024x128xf32, #tpu.memory_space<vmem>>, vector<1024x128xf32>
    tpu.vector_store %arg5[%swap3A, %swap3A_37], %mul3A_36 {strides = array<i32>} : memref<1024x128xf32, #tpu.memory_space<vmem>>, vector<1024x128xf32>,
    return
  }
  func.func @transform_0(%arg0: i32) -> (i32, i32) {
    %c0_i32 = arith.constant 0 : i32
    %c0_i32_0 = arith.constant 0 : i32
    return %arg0, %c0_i32 : i32, i32
  }
  func.func @transform_1(%arg0: i32) -> (i32, i32, i32) {
    %c0_i32 = arith.constant 0 : i32
    %c0_i32_0 = arith.constant 0 : i32
    %c0_i32_1 = arith.constant 0 : i32
    return %c0_i32, %arg0, %c0_i32_0 : i32, i32, i32
  }
  func.func @transform_2(%arg0: i32) -> (i32, i32) {
    %c0_i32 = arith.constant 0 : i32
    %c0_i32_0 = arith.constant 0 : i32
    return %arg0, %c0_i32 : i32, i32
  }
  func.func @transform_3(%arg0: i32) -> (i32, i32) {
    %c0_i32 = arith.constant 0 : i32
    %c0_i32_0 = arith.constant 0 : i32
    %c0_i32_1 = arith.constant 0 : i32
    return %c0_i32, %c0_i32_0 : i32, i32
  }
  func.func @transform_4(%arg0: i32) -> (i32, i32) {
    %c0_i32 = arith.constant 0 : i32
    %c0_i32_0 = arith.constant 0 : i32
    return %arg0, %c0_i32 : i32, i32
  }
}

module attributes {stable_mosaic.version = 14 : i64} {
  func.func @_tc_final_body(%arg0: i32, %arg1: memref<1000x2xf32, #tpu.memory_space<vmem>>, %arg2: memref<2x1000x128xf32, #tpu.memory_space<vmem>>, %arg3: memref<1000x128xf32, #tpu.memory_space<vmem>>, %arg4: memref<128x64xf32, #tpu.memory_space<vmem>>, %arg5: memref<1x64xf32, #tpu.memory_space<vmem>>, %arg6: memref<128x64xf32, #tpu.memory_space<vmem>>, %arg7: memref<1x64xf32, #tpu.memory_space<vmem>>, %arg8: memref<1000x64xf32, #tpu.memory_space<vmem>>, %arg9: memref<1000x64xf32, #tpu.memory_space<vmem>>) attributes {dimension_semantics = [#tpu.dimension_semantics<arbitrary>], iteration_bounds = array<i64: 10>, scalar_prefetch = 0 : i64, scratch_operands = 0 : i64, tpu.core_type = #tpu.core_type<tc>, window_params = [{transform_indices = @transform_0, window_bounds = array<i64: 1000, 2>}, {transform_indices = @transform_1, window_bounds = array<i64: 2, 1000, 128>}, {transform_indices = @transform_2, window_bounds = array<i64: 1000, 128>}, {pipeline_mode = #tpu.pipeline_mode<synchronous>, transform_indices = @transform_3, window_bounds = array<i64: 128, 64>}, {pipeline_mode = #tpu.pipeline_mode<synchronous>, transform_indices = @transform_4, window_bounds = array<i64: 1, 64>}, {pipeline_mode = #tpu.pipeline_mode<synchronous>, transform_indices = @transform_5, window_bounds = array<i64: 128, 64>}, {pipeline_mode = #tpu.pipeline_mode<synchronous>, transform_indices = @transform_6, window_bounds = array<i64: 1, 64>}, {transform_indices = @transform_7, window_bounds = array<i64: 1000, 64>}, {transform_indices = @transform_8, window_bounds = array<i64: 1000, 64>}]} {
    %get3A = arith.constant 0 : index
    %get3A_0 = arith.constant 0 : index
    %get3A_1 = vector.load %arg1[%get3A, %get3A_0] : memref<1000x2xf32, #tpu.memory_space<vmem>>, vector<1000x2xf32>
    %slice3A = vector.extract_strided_slice %get3A_1 {offsets = [0, 0], sizes = [1000, 1], strides = [1, 1]} : vector<1000x2xf32> to vector<1000x1xf32>
    %slice3A_2 = vector.extract_strided_slice %get3A_1 {offsets = [0, 1], sizes = [1000, 1], strides = [1, 1]} : vector<1000x2xf32> to vector<1000x1xf32>
    %add3A = arith.addf %slice3A, %slice3A_2 : vector<1000x1xf32>
    %add3A_3 = arith.constant 1.000000e+00 : f32
    %add3A_4 = vector.broadcast %add3A_3 : f32 to vector<1000x1xf32>
    %add3A_5 = arith.addf %add3A, %add3A_4 : vector<1000x1xf32>
    %iota3A = tpu.iota {dimensions = array<i32: 0>} : vector<1000x1xi32>
    %mul3A = arith.constant 1000 : i32
    %mul3A_6 = arith.muli %arg0, %mul3A : i32
    %add3A_7 = vector.broadcast %mul3A_6 : i32 to vector<1000x1xi32>
    %add3A_8 = arith.addi %iota3A, %add3A_7 : vector<1000x1xi32>
    %lt3A = arith.constant 10000 : i32
    %lt3A_9 = vector.broadcast %lt3A : i32 to vector<1000x1xi32>
    %lt3A_10 = arith.cmpi slt, %add3A_8, %lt3A_9 : vector<1000x1xi32>
    %rsqrt3A = math.rsqrt %add3A_5 : vector<1000x1xf32>
    %jit3A = arith.constant 0.000000e+00 : f32
    %broadcast_in_dim3A = vector.broadcast %jit3A : f32 to vector<1000x1xf32>
    %select_n3A = arith.select %lt3A_10, %rsqrt3A, %broadcast_in_dim3A : vector<1000x1xi1>, vector<1000x1xf32>
    %get3A_11 = arith.constant 0 : index
    %get3A_12 = arith.constant 0 : index
    %get3A_13 = arith.constant 0 : index
    %get3A_14 = vector.load %arg2[%get3A_11, %get3A_12, %get3A_13] : memref<2x1000x128xf32, #tpu.memory_space<vmem>>, vector<1x1000x128xf32>
    %get3A_15 = vector.shape_cast %get3A_14 : vector<1x1000x128xf32> to vector<1000x128xf32>
    %get3A_16 = arith.constant 1 : index
    %get3A_17 = arith.constant 0 : index
    %get3A_18 = arith.constant 0 : index
    %get3A_19 = vector.load %arg2[%get3A_16, %get3A_17, %get3A_18] : memref<2x1000x128xf32, #tpu.memory_space<vmem>>, vector<1x1000x128xf32>
    %get3A_20 = vector.shape_cast %get3A_19 : vector<1x1000x128xf32> to vector<1000x128xf32>
    %add3A_21 = arith.addf %get3A_15, %get3A_20 : vector<1000x128xf32>
    %get3A_22 = arith.constant 0 : index
    %get3A_23 = arith.constant 0 : index
    %get3A_24 = vector.load %arg3[%get3A_22, %get3A_23] : memref<1000x128xf32, #tpu.memory_space<vmem>>, vector<1000x128xf32>
    %add3A_25 = arith.addf %add3A_21, %get3A_24 : vector<1000x128xf32>
    %mul3A_26 = vector.broadcast %select_n3A : vector<1000x1xf32> to vector<1000x128xf32>
    %mul3A_27 = arith.mulf %mul3A_26, %add3A_25 : vector<1000x128xf32>
    %get3A_28 = arith.constant 0 : index
    %get3A_29 = arith.constant 0 : index
    %get3A_30 = vector.load %arg4[%get3A_28, %get3A_29] : memref<128x64xf32, #tpu.memory_space<vmem>>, vector<128x64xf32>
    %dot_general3A = arith.constant dense<0.000000e+00> : vector<1000x64xf32>
    %dot_general3A_31 = tpu.matmul %mul3A_27, %get3A_30, %dot_general3A {dimension_numbers = #tpu.dot_dimension_numbers<[1], [0], [0], [1], [0, 0, 1, 1], [], []>, transpose_lhs_hint = false} : vector<1000x128xf32>, vector<128x64xf32>, vector<1000x64xf32> -> vector<1000x64xf32>
    %get3A_32 = arith.constant 0 : index
    %get3A_33 = arith.constant 0 : index
    %get3A_34 = vector.load %arg5[%get3A_32, %get3A_33] : memref<1x64xf32, #tpu.memory_space<vmem>>, vector<1x64xf32>
    %add3A_35 = vector.broadcast %get3A_34 : vector<1x64xf32> to vector<1000x64xf32>
    %add3A_36 = arith.addf %dot_general3A_31, %add3A_35 : vector<1000x64xf32>
    %swap3A = arith.constant 0 : index
    %swap3A_37 = arith.constant 0 : index
    %swap3A_38 = vector.load %arg8[%swap3A, %swap3A_37] : memref<1000x64xf32, #tpu.memory_space<vmem>>, vector<1000x64xf32>
    tpu.vector_store %arg8[%swap3A, %swap3A_37], %add3A_36 {strides = array<i32>} : memref<1000x64xf32, #tpu.memory_space<vmem>>, vector<1000x64xf32>,
    %get3A_39 = arith.constant 0 : index
    %get3A_40 = arith.constant 0 : index
    %get3A_41 = vector.load %arg6[%get3A_39, %get3A_40] : memref<128x64xf32, #tpu.memory_space<vmem>>, vector<128x64xf32>
    %dot_general3A_42 = arith.constant dense<0.000000e+00> : vector<1000x64xf32>
    %dot_general3A_43 = tpu.matmul %mul3A_27, %get3A_41, %dot_general3A_42 {dimension_numbers = #tpu.dot_dimension_numbers<[1], [0], [0], [1], [0, 0, 1, 1], [], []>, transpose_lhs_hint = false} : vector<1000x128xf32>, vector<128x64xf32>, vector<1000x64xf32> -> vector<1000x64xf32>
    %get3A_44 = arith.constant 0 : index
    %get3A_45 = arith.constant 0 : index
    %get3A_46 = vector.load %arg7[%get3A_44, %get3A_45] : memref<1x64xf32, #tpu.memory_space<vmem>>, vector<1x64xf32>
    %add3A_47 = vector.broadcast %get3A_46 : vector<1x64xf32> to vector<1000x64xf32>
    %add3A_48 = arith.addf %dot_general3A_43, %add3A_47 : vector<1000x64xf32>
    %swap3A_49 = arith.constant 0 : index
    %swap3A_50 = arith.constant 0 : index
    %swap3A_51 = vector.load %arg9[%swap3A_49, %swap3A_50] : memref<1000x64xf32, #tpu.memory_space<vmem>>, vector<1000x64xf32>
    tpu.vector_store %arg9[%swap3A_49, %swap3A_50], %add3A_48 {strides = array<i32>} : memref<1000x64xf32, #tpu.memory_space<vmem>>, vector<1000x64xf32>,
    return
  }
  func.func @transform_0(%arg0: i32) -> (i32, i32) {
    %c0_i32 = arith.constant 0 : i32
    %c0_i32_0 = arith.constant 0 : i32
    return %arg0, %c0_i32 : i32, i32
  }
  func.func @transform_1(%arg0: i32) -> (i32, i32, i32) {
    %c0_i32 = arith.constant 0 : i32
    %c0_i32_0 = arith.constant 0 : i32
    %c0_i32_1 = arith.constant 0 : i32
    return %c0_i32, %arg0, %c0_i32_0 : i32, i32, i32
  }
  func.func @transform_2(%arg0: i32) -> (i32, i32) {
    %c0_i32 = arith.constant 0 : i32
    %c0_i32_0 = arith.constant 0 : i32
    return %arg0, %c0_i32 : i32, i32
  }
  func.func @transform_3(%arg0: i32) -> (i32, i32) {
    %c0_i32 = arith.constant 0 : i32
    %c0_i32_0 = arith.constant 0 : i32
    %c0_i32_1 = arith.constant 0 : i32
    return %c0_i32, %c0_i32_0 : i32, i32
  }
  func.func @transform_4(%arg0: i32) -> (i32, i32) {
    %c0_i32 = arith.constant 0 : i32
    %c0_i32_0 = arith.constant 0 : i32
    %c0_i32_1 = arith.constant 0 : i32
    return %c0_i32, %c0_i32_0 : i32, i32
  }
  func.func @transform_5(%arg0: i32) -> (i32, i32) {
    %c0_i32 = arith.constant 0 : i32
    %c0_i32_0 = arith.constant 0 : i32
    %c0_i32_1 = arith.constant 0 : i32
    return %c0_i32, %c0_i32_0 : i32, i32
  }
  func.func @transform_6(%arg0: i32) -> (i32, i32) {
    %c0_i32 = arith.constant 0 : i32
    %c0_i32_0 = arith.constant 0 : i32
    %c0_i32_1 = arith.constant 0 : i32
    return %c0_i32, %c0_i32_0 : i32, i32
  }
  func.func @transform_7(%arg0: i32) -> (i32, i32) {
    %c0_i32 = arith.constant 0 : i32
    %c0_i32_0 = arith.constant 0 : i32
    return %arg0, %c0_i32 : i32, i32
  }
  func.func @transform_8(%arg0: i32) -> (i32, i32) {
    %c0_i32 = arith.constant 0 : i32
    %c0_i32_0 = arith.constant 0 : i32
    return %arg0, %c0_i32 : i32, i32
  }
}

</mosaic_0001>

<sc_bundles>
// kernel: kernel.11.cloned.1.call-start
scs
__scs_entry_jumppad:
0x0: {  	(pc) =	sbr.rel $0x88, $3  }
0x1: {  	(tag) =	ssettag $0x0;
	lr =	simm.s32 $0x1  }
0x2: {  	[smem:$0x3F99] =	sst lr;
	_ =	strace $0xD0000000  }
0x3: {  	_ = 	snop  }
0x4: {  	_ = 	snop  }
0x5: {  	_ = 	snop  }
0x6: {  	_ = 	snop  }
0x7: {  	_ = 	snop  }
__scs_overlays_trampoline_lowered:
0x8: {  	[smem:$0x3FA8] =	sst s0  }
0x9: {  	[smem:$0x3FA9] =	sst s1  }
0xa: {  	[smem:$0x3FAA] =	sst s2  }
0xb: {  	[smem:$0x3FAB] =	sst s3  }
0xc: {  	[smem:$0x3FAC] =	sst s4  }
0xd: {  	[smem:$0x3FAD] =	sst s5  }
0xe: {  	[smem:$0x3FAE] =	sst s6  }
0xf: {  	[smem:$0x3FAF] =	sst s7  }
0x10: {  	[smem:$0x3FB0] =	sst s8  }
0x11: {  	[smem:$0x3FB1] =	sst s9;
	s0 =	simm.s32 @!p0 $0x0  }
0x12: {  	s1 =	sld [smem:$0x3F97];
	s0 =	simm.s32 @p0 $0x1  }
0x13: {  	[smem:$0x3FB2] =	sst s0;
	s0 =	simm.s32 @!p1 $0x0  }
0x14: {  	s2 =	sld [smem:$0x3F96];
	s0 =	simm.s32 @p1 $0x1  }
0x15: {  	[smem:$0x3FB3] =	sst s0;
	s0 =	simm.s32 @!p2 $0x0  }
0x16: {  	s3 =	sld [smem:$0x3FDB];
	s0 =	simm.s32 @p2 $0x1  }
0x17: {  	s4 =	simm.s32 $0x1BF5;
	[smem:$0x3FB5] =	sst s0  }
0x18: {  	s0 =	sld [smem:$0x3F98];
	_ =	swait.ge [sflag:s4], $0x0  }
0x19: {  	s7 =	sld [smem:$0x3F99]  }
0x1a: {  	s8 =	sadd.s32 $0xFFFFE003, lr  }
0x1b: {  	s9 =	sadd.s32 $0xFFFFFEF7, lr;
	s5 =	simm.s32 $0xFFFFFFFF;
	p2 =	slt.u32 s8, $0xFFFFF086  }
0x1c: {  	p1 =	slt.u32 s9, $0xF7A;
	s5 =	simm.s32 @!p2 $0x0  }
0x1d: {  	s5 =	simm.s32 @p1 $0x1;
	p0 =	seq.s32 s7, s2  }
0x1e: {  	s7 =	smul.u32 @!p0 $0xF7A, s2;
	p2 =	seq.s32 @!p0 s5, $0x0  }
0x1f: {  	s9 =	smul.u32 $0xF7A, s1;
	s8 =	simm.s32 @!p0 $0x1BF5;
	p2 =	por !p2, p0  }
0x20: {  	[sflag:s8] =	ssyncset.s32 @!p0 $0xFFFFF086;
	s6 =	sadd.s32 @!p0 s3, s7;
	s7 =	simm.s32 @!p0 $0x108  }
0x21: {  	s3 =	sadd.s32 s3, s9;
	s6 =	sadd.s32 @!p0 $0x88, s6;
	s7 =	simm.s32 @p2 $0x1082  }
0x22: {  	[simem:s7], [sflag:s8] =	dma.local @!p0 [hbm:s6], $0xF7A  }
0x23: {  	s9 =	sor.u32 $0xD0000000, s2;
	s6 =	simm.s32 $0x108;
	_ =	swait.ge @!p0 [sflag:s8], $0x0  }
0x24: {  	s3 =	sadd.s32 $0x88, s3;
	s6 =	simm.s32 @!p1 $0x1082;
	[sflag:s4] =	ssyncset.s32 $0xFFFFF086  }
0x25: {  	[simem:s6], [sflag:s4] =	dma.local [hbm:s3], $0xF7A  }
0x26: {  	[smem:$0x3F99] =	sst s1;
	(tag) =	ssettag s2;
	_ =	strace s9  }
0x27: {  	s1 =	sld [smem:$0x3FA9]  }
0x28: {  	s2 =	sld [smem:$0x3FAA]  }
0x29: {  	s4 =	sld [smem:$0x3FAC]  }
0x2a: {  	p0 =	seq.s32 s5, $0x0;
	s5 =	sld [smem:$0x3FAD]  }
0x2b: {  	s6 =	sld [smem:$0x3FAE]  }
0x2c: {  	s7 =	sld [smem:$0x3FAF]  }
0x2d: {  	s3 =	simm.s32 $0x108;
	s8 =	sld [smem:$0x3FB0]  }
0x2e: {  	s3 =	simm.s32 @!p0 $0x1082;
	s9 =	sld [smem:$0x3FB1]  }
0x2f: {  	lr =	sadd.s32 s0, s3;
	s0 =	sld [smem:$0x3FA8]  }
0x30: {  	s3 =	sld [smem:$0x3FAB]  }
0x31: {  	[smem:$0x3FB4] =	sst s10  }
0x32: {  	s10 =	sld [smem:$0x3FB2];
	_ =	sdelay $0x3  }
0x33: {  	p0 =	seq.s32 s10, $0x1;
	s10 =	sld [smem:$0x3FB4];
	_ =	sdelay $0x3  }
0x34: {  	[smem:$0x3FB4] =	sst s10  }
0x35: {  	s10 =	sld [smem:$0x3FB3];
	_ =	sdelay $0x3  }
0x36: {  	p1 =	seq.s32 s10, $0x1;
	s10 =	sld [smem:$0x3FB4];
	_ =	sdelay $0x3  }
0x37: {  	[smem:$0x3FB4] =	sst s10  }
0x38: {  	s10 =	sld [smem:$0x3FB5]  }
0x39: {  	_ = 	snop;
	(pc) =	sbr.ind lr, $3  }
0x3a: {  	_ = 	snop  }
0x3b: {  	_ = 	snop  }
0x3c: {  	p2 =	seq.s32 s10, $0x1;
	s10 =	sld [smem:$0x3FB4]  }
0x3d: {  	_ =	shalt  }
0x3e: {  	_ =	shalt  }
0x3f: {  	_ =	shalt  }
0x40: {  	_ =	shalt  }
0x41: {  	_ =	shalt  }
0x42: {  	_ =	shalt  }
0x43: {  	_ =	shalt  }
0x44: {  	_ =	shalt  }
0x45: {  	_ =	shalt  }
0x46: {  	_ =	shalt  }
0x47: {  	_ =	shalt  }
0x48: {  	_ =	shalt  }
0x49: {  	_ =	shalt  }
0x4a: {  	_ =	shalt  }
0x4b: {  	_ =	shalt  }
0x4c: {  	_ =	shalt  }
0x4d: {  	_ =	shalt  }
0x4e: {  	_ =	shalt  }
0x4f: {  	_ =	shalt  }
0x50: {  	_ =	shalt  }
0x51: {  	_ =	shalt  }
0x52: {  	_ =	shalt  }
0x53: {  	_ =	shalt  }
0x54: {  	_ =	shalt  }
0x55: {  	_ =	shalt  }
0x56: {  	_ =	shalt  }
0x57: {  	_ =	shalt  }
0x58: {  	_ =	shalt  }
0x59: {  	_ =	shalt  }
0x5a: {  	_ =	shalt  }
0x5b: {  	_ =	shalt  }
0x5c: {  	_ =	shalt  }
0x5d: {  	_ =	shalt  }
0x5e: {  	_ =	shalt  }
0x5f: {  	_ =	shalt  }
0x60: {  	_ =	shalt  }
0x61: {  	_ =	shalt  }
0x62: {  	_ =	shalt  }
0x63: {  	_ =	shalt  }
0x64: {  	_ =	shalt  }
0x65: {  	_ =	shalt  }
0x66: {  	_ =	shalt  }
0x67: {  	_ =	shalt  }
0x68: {  	_ =	shalt  }
0x69: {  	_ =	shalt  }
0x6a: {  	_ =	shalt  }
0x6b: {  	_ =	shalt  }
0x6c: {  	_ =	shalt  }
0x6d: {  	_ =	shalt  }
0x6e: {  	_ =	shalt  }
0x6f: {  	_ =	shalt  }
0x70: {  	_ =	shalt  }
0x71: {  	_ =	shalt  }
0x72: {  	_ =	shalt  }
0x73: {  	_ =	shalt  }
0x74: {  	_ =	shalt  }
0x75: {  	_ =	shalt  }
0x76: {  	_ =	shalt  }
0x77: {  	_ =	shalt  }
0x78: {  	_ =	shalt  }
0x79: {  	_ =	shalt  }
0x7a: {  	_ =	shalt  }
0x7b: {  	_ =	shalt  }
0x7c: {  	_ =	shalt  }
0x7d: {  	_ =	shalt  }
0x7e: {  	_ =	shalt  }
0x7f: {  	_ =	shalt  }
0x80: {  	_ =	shalt  }
0x81: {  	_ =	shalt  }
0x82: {  	_ =	shalt  }
0x83: {  	_ =	shalt  }
0x84: {  	_ =	shalt  }
0x85: {  	_ =	shalt  }
0x86: {  	_ =	shalt  }
0x87: {  	_ =	shalt  }
.Lfunc_end0:
.L_simem_size_0:
called_computation.1_lowered:
.L_overlay_start_0:
0x88: {  	s2 =	sld [smem:$0x3FD9]  }
0x89: {  	s3 =	sld [smem:$0x3FFE];
	_ =	sdelay $0x1  }
0x8a: {  	s1 =	srdreg.scid  }
0x8b: {  	s0 =	sand.u32 $0x1, s1  }
0x8c: {  	s14 =	sshll.u32 s0, $0xA;
	s2 =	sadd.s32 s3, s2  }
0x8d: {  	s2 =	sadd.s32 s2, s14  }
0x8e: {  	[smem:$0x3FC0] =	sst s2  }
0x8f: {  	_ = 	snop  }
0x90: {  	s2 =	sld [smem:$0x3FD0];
	_ =	sdelay $0x2  }
0x91: {  	s15 =	simm.s32 $0xA;
	s4 =	simm.s32 $0x10  }
0x92: {  	[smem:s4], [sflag:s15] =	dma.local [hbm:s2], $0x1  }
0x93: {  	_ =	swait.eq [sflag:s15], $0x1  }
0x94: {  	[sflag:s15] =	ssyncset.done $0x0  }
0x95: {  	s16 =	sld [smem:$0x10];
	[sflag:s15] =	ssyncadd.s32 $0xFFFFFFFF  }
0x96: {  	s17 =	sld [smem:$0x11];
	(tm) =	ssettm $0x1  }
0x97: {  	s18 =	sld [smem:$0x3FFB];
	_ =	sdelay $0x3  }
0x98: {  	_ =	strace s18  }
0x99: {  	s4 =	sld [smem:$0x3FFC];
	_ =	sdelay $0x3  }
0x9a: {  	_ =	strace s4  }
0x9b: {  	s4 =	sld [smem:$0x3FFD];
	_ =	sdelay $0x3  }
0x9c: {  	_ =	strace s4  }
0x9d: {  	_ =	strace $0x8FFFFFFF  }
0x9e: {  	s19 =	sld [smem:$0x3FDB];
	_ =	sdelay $0x1  }
0x9f: {  	s5 =	simm.s32 $_scs_section_size  }
0xa0: {  	s6 =	simm.s32 $_size__tile_overlayer_lowered;
	s7 =	simm.s32 $_tile_overlayer_lowered  }
0xa1: {  	s22 =	simm.s32 $0x1BFF;
	s21 =	sshll.u32 s7, $0x1;
	s4 =	sadd.s32 s5, s19  }
0xa2: {  	s8 =	simm.s32 $0x0;
	s20 =	sshll.u32 s6, $0x1;
	s6 =	sadd.s32 s21, s4  }
0xa3: {  	[timem:s8], [sflag:s22] =	dma.local [hbm:s6], s20  }
0xa4: {  	_ =	swait.ge [sflag:s22], s20  }
0xa5: {  	s5 =	ssub.s32 $0x0, s20;
	[sflag:s22] =	ssyncset.done $0x0  }
0xa6: {  	[sflag:s22] =	ssyncadd.s32 s5;
	_ =	sdelay $0x1  }
0xa7: {  	s23 =	simm.s32 $0x1B8B  }
0xa8: {  	_ =	swait.ge [sflag:s23], $0x1  }
0xa9: {  	[sflag:s23] =	ssyncset.done $0x0  }
0xaa: {  	s25 =	simm.s32 $0x1B8E;
	s24 =	sld [smem:$0x3FFE];
	[sflag:s23] =	ssyncadd.s32 $0xFFFFFFFF  }
0xab: {  	s26 =	simm.s32 $execute0_lowered;
	[smem:$0x3FD2] =	sst s25  }
0xac: {  	s6 =	sshll.u32 s26, $0x1;
	_ =	strace $0x80000049;
	[dreg:$0x1] =	wrdreg $0xFFFFFFFF  }
0xad: {  	s28 =	simm.s32 $_size_execute0_lowered;
	s4 =	sadd.s32 s4, s6;
	[dreg:$0x0] =	wrdreg $0x0  }
0xae: {  	s6 =	sshll.u32 s28, $0x1;
	[dreg:$0x2] =	wrdreg s4  }
0xaf: {  	[dreg:$0x3] =	wrdreg s6  }
0xb0: {  	[dreg:$0x4] =	wrdreg $0xC0  }
0xb1: {  	_ =	task [dreg:s8], $0x5FFFF  }
0xb2: {  	[dreg:$0x1] =	wrdreg $0xFFFFFFFF  }
0xb3: {  	[dreg:$0x0] =	wrdreg $0x60  }
0xb4: {  	[dreg:$0x2] =	wrdreg s16  }
0xb5: {  	[dreg:$0x3] =	wrdreg s17  }
0xb6: {  	[dreg:$0x4] =	wrdreg s24  }
0xb7: {  	[dreg:$0x5] =	wrdreg $0x0  }
0xb8: {  	[dreg:$0x6] =	wrdreg $0x9  }
0xb9: {  	_ =	task.clear_ibuf [dreg:s8], $0x7FFFF;
	_ =	strace $0x90000049  }
0xba: {  	s29 =	simm.s32 $0x9;
	_ =	strace $0x8000004B  }
0xbb: {  	_ =	swait.ge [sflag:s29], $0x1  }
0xbc: {  	[sflag:s29] =	ssyncadd.s32 $0xFFFFFFFF  }
0xbd: {  	_ =	strace $0x9000004B  }
0xbe: {  	_ =	sfence  }
0xbf: {  	s30 =	sld [smem:$0x0];
	_ =	sdelay $0x2  }
0xc0: {  	s31 =	sshll.u32 s1, $0xD;
	s1 =	sshrl.u32 s1, $0x2  }
0xc1: {  	s3 =	sand.u32 $0x4000, s31;
	s1 =	sadd.s32 s1, s30  }
0xc2: {  	s0 =	sor.u32 s3, s0;
	s1 =	sshll.u32 s1, $0x11  }
0xc3: {  	s0 =	sor.u32 s1, s0  }
0xc4: {  	s0 =	sadd.s32 $0x8F2B, s0  }
0xc5: {  	[sflag:s0] =	ssyncadd.remote.s32 $0x1  }
0xc6: {  	_ =	sfence.sel $0xFFFF  }
0xc7: {  	[dreg:$0x0] =	wrdreg $0xFFFFFFFF;
	(pc) =	sbr.abs _section_cstart, $3  }
0xc8: {  	[dreg:$0x1] =	wrdreg $0xFFFFFFFF  }
0xc9: {  	_ =	task.clear_ibuf [dreg:s8], $0x2FFFF;
	_ =	strace $0x9FFFFFFF  }
0xca: {  	(tm) =	ssettm $0x7FFFFFFF  }
0xcb: {  	_ =	shalt  }
tec
execute0_lowered:
.L_overlay_start_1:
0x0: {  	(tag) =	ssettag $0x1  }
0x1: {  	s10 =	rddreg [dreg:$0x0]  }
0x2: {  	s11 =	rddreg [dreg:$0x1]  }
0x3: {  	s6 =	rddreg [dreg:$0x2]  }
0x4: {  	s1 =	rddreg [dreg:$0x3]  }
0x5: {  	s2 =	srdreg.scid;
	s3 =	simm.s32 $0x0;
	s17 =	simm.s32 $0x3  }
0x6: {  	s18 =	simm.s32 $0x14000;
	s19 =	simm.s32 $0x14100;
	s20 =	simm.s32 $0x80  }
0x7: {  	s21 =	simm.s32 $0x14200;
	s22 =	simm.s32 $0x14080;
	s23 =	simm.s32 $0x14180  }
0x8: {  	s24 =	simm.s32 $0x18200;
	s7 =	sand.u32 $0x1, s2;
	s2 =	stileid.u32  }
0x9: {  	s28 =	simm.s32 $0x0;
	[smem:$0x7FF] =	sst s3;
	s5 =	smul.u32 $0x140000, s7  }
0xa: {  	s4 =	sadd.s32 $0x2800, s6;
	s8 =	smul.u32 $0x14000, s2;
	_ =	strace $0x8000004A  }
0xb: {  	s9 =	ssub.s32 $0x2, s7;
	s12 =	smul.u32 $0x50000, s2;
	s26 =	sshll.u32 s2, $0x5  }
0xc: {  	s29 =	sshll.u32 s2, $0x6;
	p0 =	seq.s32 s7, $0x0;
	s7 =	simm.s32 $0x3E  }
0xd: {  	s13 =	sshrl.u32 s9, $0x1;
	s7 =	simm.s32 @!p0 $0xF;
	s8 =	sadd.s32 s8, s5  }
0xe: {  	s5 =	sadd.s32 $0x2A800, s6;
	s13 =	ssub.s32 s9, s13;
	s25 =	sshrl.u32 s12, $0x2  }
0xf: {  	s12 =	sadd.s32 $0x7E0, s26;
	s26 =	simm.s32 $0x2;
	s8 =	sshrl.u32 s8, $0x3  }
0x10: {  	s16 =	sadd.s32 s25, s1;
	s14 =	sadd.s32 s8, s6;
	s8 =	smul.u32 $0x7E, s2  }
0x11: {  	s13 =	smax.u32 s13, $0x1;
	s25 =	simm.s32 $0x1;
	s6 =	sor.u32 $0x1C03, s29  }
0x12: {  	s16 =	sshrl.u32 s16, $0x3;
	s12 =	smov.u32 @p0 s8;
	s8 =	simm.s32 $0x3E80  }
0x13: {  	s30 =	sshll.u32 s12, $0x7;
	s8 =	simm.s32 @!p0 $0xF80;
	s12 =	sshll.u32 s12, $0x4  }
0x14: {  	s15 =	sadd.s32 s8, s30;
	s8 =	sadd.s32 s10, s12;
	s9 =	sadd.s32 s11, s12  }
0x15: {  	s12 =	sadd.s32 $0x2D000, s14;
	s31 =	sshrl.u32 s15, $0x3;
	s14 =	sadd.s32 $0x20, s9  }
0x16: {  	s15 =	sadd.s32 $0x20, s8;
	s10 =	sadd.s32 s10, s31;
	s11 =	sadd.s32 s11, s31  }
.LBB2_1:
0x17: {  	[spmem:s16], [sflag:s6] =	dma.local [hbm:s5], $0x2800  }
0x18: {  	_ =	swait.ge [sflag:s17], $0x2800  }
0x19: {  	[sflag:s17] =	ssyncset.done $0x0  }
0x1a: {  	[sflag:s17] =	ssyncadd.s32 $0xFFFFD800  }
0x1b: {  	[bflag:$0x0] =	sbarrier.arrive $0xFFFF  }
0x1c: {  	[tilespmem:s18], [sflag:$0x3] =	stream.linear.gather [hbm4b:s8+s3], $0x80, $0x38;
	[tilespmem:$0x1C200] =	vst v63  }
0x1d: {  	_ =	swait.ge [sflag:s17], $0x80  }
0x1e: {  	[sflag:s17] =	ssyncset.done $0x0  }
0x1f: {  	p1 =	sne.s32 s7, $0x1;
	[sflag:s17] =	ssyncadd.s32 $0xFFFFFF80  }
0x20: {  	[tilespmem:s19], [sflag:$0x3] =	stream.linear.gather [hbm4b:s9+s3], $0x80, $0x38;
	[tilespmem:$0x1C200] =	vst v63  }
.Ltmp0:
0x21: {  	_ = 	snop;
	(pc) =	sbr.rel @!p1 .LBB2_5-.Ltmp0, $4  }
0x22: {  	_ =	swait.ge [sflag:s17], $0x80  }
0x23: {  	s31 =	sadd.s32 $0xFFFFFFFF, s7;
	p0 =	por $0x0, $0x0;
	[sflag:s17] =	ssyncset.done $0x0  }
0x24: {  	s29 =	smov.u32 s15;
	s30 =	smov.u32 s14;
	[sflag:s17] =	ssyncadd.s32 $0xFFFFFF80  }
0x25: {  	[tilespmem:s21], [sflag:$0x1] =	stream.indirect.gather [hbm4b:s4+s20], $0x80, s18, s20, $0xb8;
	[tilespmem:$0x1C200] =	vst v63  }
0x26: {  	s29 =	sadd.s32 $0xFFFFFFF0, s15  }
0x27: {  	[tilespmem:s22], [sflag:$0x3] =	stream.linear.gather [hbm4b:s29+s3], $0x80, $0x38;
	[tilespmem:$0x1C200] =	vst v63  }
0x28: {  	_ =	swait.ge [sflag:s17], $0x80  }
0x29: {  	[sflag:s17] =	ssyncset.done $0x0  }
0x2a: {  	s29 =	sadd.s32 $0xFFFFFFF0, s14;
	[sflag:s17] =	ssyncadd.s32 $0xFFFFFF80  }
0x2b: {  	[tilespmem:s23], [sflag:$0x3] =	stream.linear.gather [hbm4b:s29+s3], $0x80, $0x38;
	[tilespmem:$0x1C200] =	vst v63  }
0x2c: {  	_ =	swait.ge [sflag:s17], $0x80  }
0x2d: {  	[sflag:s17] =	ssyncset.done $0x0  }
0x2e: {  	[sflag:s17] =	ssyncadd.s32 $0xFFFFFF80  }
0x2f: {  	[tilespmem:s24], [sflag:$0x2] =	stream.indirect.gather [hbm4b:s4+s20], $0x80, s22, s20, $0xb8;
	[tilespmem:$0x1C200] =	vst v63  }
0x30: {  	_ =	swait.ge [sflag:s25], $0x4000  }
0x31: {  	[sflag:s25] =	ssyncset.done $0x0  }
0x32: {  	[sflag:s25] =	ssyncadd.s32 $0xFFFFC000  }
0x33: {  	[spmem:s1] =	stream.indirect.scatter.add.f32 [tilespmem:s21], [sflag:$0x3], $0x80, s19, s20, $0xb8;
	[tilespmem:$0x1C200] =	vst v63  }
0x34: {  	_ =	swait.ge [sflag:s17], $0x4000  }
0x35: {  	[sflag:s17] =	ssyncset.done $0x0  }
0x36: {  	[sflag:s17] =	ssyncadd.s32 $0xFFFFC000  }
0x37: {  	[tilespmem:s18], [sflag:$0x3] =	stream.linear.gather [hbm4b:s15+s3], $0x80, $0x38;
	[tilespmem:$0x1C200] =	vst v63  }
0x38: {  	_ =	swait.ge [sflag:s17], $0x80  }
0x39: {  	[sflag:s17] =	ssyncset.done $0x0  }
0x3a: {  	[sflag:s17] =	ssyncadd.s32 $0xFFFFFF80  }
0x3b: {  	[tilespmem:s19], [sflag:$0x3] =	stream.linear.gather [hbm4b:s14+s3], $0x80, $0x38;
	[tilespmem:$0x1C200] =	vst v63  }
0x3c: {  	_ =	swait.ge [sflag:s17], $0x80  }
0x3d: {  	[sflag:s17] =	ssyncset.done $0x0  }
0x3e: {  	[sflag:s17] =	ssyncadd.s32 $0xFFFFFF80  }
0x3f: {  	[tilespmem:s21], [sflag:$0x1] =	stream.indirect.gather [hbm4b:s4+s20], $0x80, s18, s20, $0xb8;
	[tilespmem:$0x1C200] =	vst v63  }
0x40: {  	p1 =	sne.s32 s31, $0x1;
	_ =	swait.ge [sflag:s26], $0x4000  }
.Ltmp1:
0x41: {  	[sflag:s26] =	ssyncset.done $0x0;
	(pc) =	sbr.rel @!p1 .LBB2_3-.Ltmp1, $4  }
0x42: {  	[sflag:s26] =	ssyncadd.s32 $0xFFFFC000  }
0x43: {  	[spmem:s1] =	stream.indirect.scatter.add.f32 [tilespmem:s24], [sflag:$0x3], $0x80, s23, s20, $0xb8;
	[tilespmem:$0x1C200] =	vst v63  }
0x44: {  	s31 =	sadd.s32 $0xFFFFFFFF, s31;
	p0 =	por $0x1, $0x1;
	_ =	swait.ge [sflag:s17], $0x4000  }
0x45: {  	s30 =	smov.u32 s14;
	s29 =	sadd.s32 $0x20, s15;
	[sflag:s17] =	ssyncset.done $0x0  }
.LBB2_4:
0x46: {  	s0 =	sadd.s32 $0xFFFFFFF0, s29;
	[sflag:s17] =	ssyncadd.s32 $0xFFFFC000;
	s30 =	sadd.s32 $0x20, s30  }
0x47: {  	[tilespmem:s22], [sflag:$0x3] =	stream.linear.gather [hbm4b:s0+s3], $0x80, $0x38;
	[tilespmem:$0x1C200] =	vst v63  }
0x48: {  	p1 =	sne.s32 s31, $0x1;
	s31 =	sadd.s32 $0xFFFFFFFF, s31;
	_ =	swait.ge [sflag:s17], $0x80  }
0x49: {  	[sflag:s17] =	ssyncset.done $0x0  }
0x4a: {  	s0 =	sadd.s32 $0xFFFFFFF0, s30;
	[sflag:s17] =	ssyncadd.s32 $0xFFFFFF80  }
0x4b: {  	[tilespmem:s23], [sflag:$0x3] =	stream.linear.gather [hbm4b:s0+s3], $0x80, $0x38;
	[tilespmem:$0x1C200] =	vst v63  }
0x4c: {  	_ =	swait.ge [sflag:s17], $0x80  }
0x4d: {  	[sflag:s17] =	ssyncset.done $0x0  }
0x4e: {  	[sflag:s17] =	ssyncadd.s32 $0xFFFFFF80  }
0x4f: {  	[tilespmem:s24], [sflag:$0x2] =	stream.indirect.gather [hbm4b:s4+s20], $0x80, s22, s20, $0xb8;
	[tilespmem:$0x1C200] =	vst v63  }
0x50: {  	_ =	swait.ge [sflag:s25], $0x4000  }
0x51: {  	[sflag:s25] =	ssyncset.done $0x0  }
0x52: {  	[sflag:s25] =	ssyncadd.s32 $0xFFFFC000  }
0x53: {  	[spmem:s1] =	stream.indirect.scatter.add.f32 [tilespmem:s21], [sflag:$0x3], $0x80, s19, s20, $0xb8;
	[tilespmem:$0x1C200] =	vst v63  }
0x54: {  	_ =	swait.ge [sflag:s17], $0x4000  }
0x55: {  	[sflag:s17] =	ssyncset.done $0x0  }
0x56: {  	[sflag:s17] =	ssyncadd.s32 $0xFFFFC000  }
0x57: {  	[tilespmem:s18], [sflag:$0x3] =	stream.linear.gather [hbm4b:s29+s3], $0x80, $0x38;
	[tilespmem:$0x1C200] =	vst v63  }
0x58: {  	_ =	swait.ge [sflag:s17], $0x80  }
0x59: {  	[sflag:s17] =	ssyncset.done $0x0  }
0x5a: {  	[sflag:s17] =	ssyncadd.s32 $0xFFFFFF80  }
0x5b: {  	[tilespmem:s19], [sflag:$0x3] =	stream.linear.gather [hbm4b:s30+s3], $0x80, $0x38;
	[tilespmem:$0x1C200] =	vst v63  }
0x5c: {  	_ =	swait.ge [sflag:s17], $0x80  }
0x5d: {  	[sflag:s17] =	ssyncset.done $0x0  }
0x5e: {  	[sflag:s17] =	ssyncadd.s32 $0xFFFFFF80  }
0x5f: {  	[tilespmem:s21], [sflag:$0x1] =	stream.indirect.gather [hbm4b:s4+s20], $0x80, s18, s20, $0xb8;
	[tilespmem:$0x1C200] =	vst v63  }
0x60: {  	_ =	swait.ge [sflag:s26], $0x4000  }
.Ltmp2:
0x61: {  	[sflag:s26] =	ssyncset.done $0x0;
	(pc) =	sbr.rel @p1 .LBB2_4-.Ltmp2, $4  }
0x62: {  	[sflag:s26] =	ssyncadd.s32 $0xFFFFC000  }
0x63: {  	[spmem:s1] =	stream.indirect.scatter.add.f32 [tilespmem:s24], [sflag:$0x3], $0x80, s23, s20, $0xb8;
	[tilespmem:$0x1C200] =	vst v63  }
0x64: {  	_ =	swait.ge [sflag:s17], $0x4000  }
0x65: {  	s29 =	sadd.s32 $0x20, s29;
	[sflag:s17] =	ssyncset.done $0x0  }
.LBB2_5:
0x66: {  	s0 =	sadd.s32 $0xFFFFFFF0, s29;
	[sflag:s17] =	ssyncadd.s32 @p0 $0xFFFFC000  }
0x67: {  	[tilespmem:s22], [sflag:$0x3] =	stream.linear.gather [hbm4b:s0+s3], $0x80, $0x38;
	[tilespmem:$0x1C200] =	vst v63  }
0x68: {  	s0 =	sadd.s32 @p0 $0x20, s30;
	s30 =	smov.u32 s14;
	_ =	swait.ge [sflag:s17], $0x80  }
0x69: {  	s30 =	smov.u32 @p0 s0;
	[sflag:s17] =	ssyncset.done $0x0  }
0x6a: {  	s0 =	sadd.s32 $0xFFFFFFF0, s30;
	[sflag:s17] =	ssyncadd.s32 $0xFFFFFF80  }
0x6b: {  	[tilespmem:s23], [sflag:$0x3] =	stream.linear.gather [hbm4b:s0+s3], $0x80, $0x38;
	[tilespmem:$0x1C200] =	vst v63  }
0x6c: {  	_ =	swait.ge [sflag:s17], $0x80  }
0x6d: {  	[sflag:s17] =	ssyncset.done $0x0  }
0x6e: {  	[sflag:s17] =	ssyncadd.s32 $0xFFFFFF80  }
0x6f: {  	[tilespmem:s24], [sflag:$0x2] =	stream.indirect.gather [hbm4b:s4+s20], $0x80, s22, s20, $0xb8;
	[tilespmem:$0x1C200] =	vst v63  }
0x70: {  	_ =	swait.ge [sflag:s25], $0x4000  }
0x71: {  	[sflag:s25] =	ssyncset.done $0x0  }
0x72: {  	[sflag:s25] =	ssyncadd.s32 $0xFFFFC000  }
0x73: {  	[spmem:s1] =	stream.indirect.scatter.add.f32 [tilespmem:s21], [sflag:$0x3], $0x80, s19, s20, $0xb8;
	[tilespmem:$0x1C200] =	vst v63  }
0x74: {  	_ =	swait.ge [sflag:s17], $0x4000  }
0x75: {  	[sflag:s17] =	ssyncset.done $0x0  }
0x76: {  	[sflag:s17] =	ssyncadd.s32 $0xFFFFC000  }
0x77: {  	[tilespmem:s18], [sflag:$0x3] =	stream.linear.gather [hbm4b:s29+s3], $0x80, $0x38;
	[tilespmem:$0x1C200] =	vst v63  }
0x78: {  	_ =	swait.ge [sflag:s17], $0x80  }
0x79: {  	[sflag:s17] =	ssyncset.done $0x0  }
0x7a: {  	[sflag:s17] =	ssyncadd.s32 $0xFFFFFF80  }
0x7b: {  	[tilespmem:s19], [sflag:$0x3] =	stream.linear.gather [hbm4b:s30+s3], $0x80, $0x38;
	[tilespmem:$0x1C200] =	vst v63  }
0x7c: {  	_ =	swait.ge [sflag:s17], $0x80  }
0x7d: {  	[sflag:s17] =	ssyncset.done $0x0  }
0x7e: {  	[sflag:s17] =	ssyncadd.s32 $0xFFFFFF80  }
0x7f: {  	[tilespmem:s21], [sflag:$0x1] =	stream.indirect.gather [hbm4b:s4+s20], $0x80, s18, s20, $0xb8;
	[tilespmem:$0x1C200] =	vst v63  }
0x80: {  	_ =	swait.ge [sflag:s26], $0x4000  }
0x81: {  	[sflag:s26] =	ssyncset.done $0x0  }
0x82: {  	[sflag:s26] =	ssyncadd.s32 $0xFFFFC000  }
0x83: {  	[spmem:s1] =	stream.indirect.scatter.add.f32 [tilespmem:s24], [sflag:$0x3], $0x80, s23, s20, $0xb8;
	[tilespmem:$0x1C200] =	vst v63  }
0x84: {  	_ =	swait.ge [sflag:s17], $0x4000  }
0x85: {  	[sflag:s17] =	ssyncset.done $0x0  }
0x86: {  	[sflag:s17] =	ssyncadd.s32 $0xFFFFC000  }
0x87: {  	[tilespmem:s22], [sflag:$0x3] =	stream.linear.gather [hbm4b:s10+s3], $0x80, $0x38;
	[tilespmem:$0x1C200] =	vst v63  }
0x88: {  	_ =	swait.ge [sflag:s17], $0x80  }
0x89: {  	[sflag:s17] =	ssyncset.done $0x0  }
0x8a: {  	[sflag:s17] =	ssyncadd.s32 $0xFFFFFF80  }
0x8b: {  	[tilespmem:s23], [sflag:$0x3] =	stream.linear.gather [hbm4b:s11+s3], $0x80, $0x38;
	[tilespmem:$0x1C200] =	vst v63  }
0x8c: {  	_ =	swait.ge [sflag:s17], $0x80  }
0x8d: {  	[sflag:s17] =	ssyncset.done $0x0  }
0x8e: {  	[sflag:s17] =	ssyncadd.s32 $0xFFFFFF80  }
0x8f: {  	[tilespmem:s24], [sflag:$0x2] =	stream.indirect.gather [hbm4b:s4+s20], $0x80, s22, s20, $0xb8;
	[tilespmem:$0x1C200] =	vst v63  }
0x90: {  	_ =	swait.ge [sflag:s25], $0x4000  }
0x91: {  	[sflag:s25] =	ssyncset.done $0x0  }
0x92: {  	[sflag:s25] =	ssyncadd.s32 $0xFFFFC000  }
0x93: {  	[spmem:s1] =	stream.indirect.scatter.add.f32 [tilespmem:s21], [sflag:$0x3], $0x80, s19, s20, $0xb8;
	[tilespmem:$0x1C200] =	vst v63  }
0x94: {  	_ =	swait.ge [sflag:s17], $0x4000  }
0x95: {  	[sflag:s17] =	ssyncset.done $0x0  }
0x96: {  	[sflag:s17] =	ssyncadd.s32 $0xFFFFC000  }
0x97: {  	_ =	swait.ge [sflag:s26], $0x4000  }
0x98: {  	[sflag:s26] =	ssyncset.done $0x0  }
0x99: {  	[sflag:s26] =	ssyncadd.s32 $0xFFFFC000  }
0x9a: {  	[spmem:s1] =	stream.indirect.scatter.add.f32 [tilespmem:s24], [sflag:$0x3], $0x80, s23, s20, $0xb8;
	[tilespmem:$0x1C200] =	vst v63  }
0x9b: {  	_ =	swait.ge [sflag:s17], $0x4000  }
0x9c: {  	[sflag:s17] =	ssyncset.done $0x0  }
0x9d: {  	s28 =	sadd.s32 $0x1, s28;
	[sflag:s17] =	ssyncadd.s32 $0xFFFFC000  }
0x9e: {  	p0 =	sne.s32 s28, s13;
	[bflag:$0x0] =	sbarrier.arrive $0xFFFF  }
0x9f: {  	[hbm:s12], [sflag:s6] =	dma.local [spmem:s16], $0x2800  }
.Ltmp3:
0xa0: {  	_ = 	snop;
	(pc) =	sbr.rel @p0 .LBB2_1-.Ltmp3, $4  }
.Ltmp4:
0xa1: {  	_ = 	snop;
	(pc) =	sbr.rel @!p0 .LBB2_6-.Ltmp4, $4  }
0xa2: {  	_ =	swait.ge [sflag:s17], $0x2800  }
0xa3: {  	[sflag:s17] =	ssyncset.done $0x0  }
0xa4: {  	[sflag:s17] =	ssyncadd.s32 $0xFFFFD800  }
0xa5: {  	_ = 	snop  }
.LBB2_3:
.Ltmp5:
0xa6: {  	(pc) =	sbr.rel .LBB2_5-.Ltmp5, $2  }
0xa7: {  	_ =	sdelay $0x2  }
0xa8: {  	s30 =	smov.u32 s14  }
.LBB2_6:
0xa9: {  	_ =	sfence.sel $0x180000  }
0xaa: {  	[bflag:$0x0] =	sbarrier.arrive $0xFFFF  }
0xab: {  	_ =	strace $0x9000004A  }
0xac: {  	[bflag:$0x2] =	sbarrier.arrive $0xFFFF  }
0xad: {  	p0 =	sne.s32 s2, $0x0;
	s0 =	rddreg [dreg:$0x4]  }
0xae: {  	s0 =	sadd.s32 @!p0 $0x100000, s0  }
0xaf: {  	[sflag:s0] =	ssyncadd.tile.s32 @!p0 $0x1;
	_ =	shalt  }
.Lfunc_end2:
_tile_overlayer_lowered:
.L_overlay_start_2:
0xb0: {  	(tag) =	ssettag $0x2  }
0xb1: {  	s0 =	rddreg [dreg:$0x0];
	s2 =	stileid.u32  }
0xb2: {  	s1 =	rddreg [dreg:$0x1];
	p0 =	sne.s32 s2, $0x0  }
0xb3: {  	s3 =	rddreg [dreg:$0x2];
	[bflag:$0x3] =	sbarrier.arrive $0xFFFF;
	s2 =	simm.s32 @!p0 $0x1C03  }
0xb4: {  	[timem:s3], [sflag:s2] =	dma.local @!p0 [hbm:s0], s1  }
0xb5: {  	s0 =	simm.s32 @!p0 $0x3  }
0xb6: {  	_ =	swait.ge @!p0 [sflag:s0], s1  }
0xb7: {  	s1 =	ssub.s32 @!p0 $0x0, s1;
	[sflag:s0] =	ssyncset.done @!p0 $0x0  }
0xb8: {  	[sflag:s0] =	ssyncadd.s32 @!p0 s1  }
0xb9: {  	[bflag:$0x3] =	sbarrier.arrive $0xFFFF  }
0xba: {  	_ =	shalt  }

// kernel: kernel.14.cloned.1.call-start
scs
__scs_entry_jumppad:
0x0: {  	(pc) =	sbr.rel $0x88, $3  }
0x1: {  	(tag) =	ssettag $0x0;
	lr =	simm.s32 $0x1  }
0x2: {  	[smem:$0x3F99] =	sst lr;
	_ =	strace $0xD0000000  }
0x3: {  	_ = 	snop  }
0x4: {  	_ = 	snop  }
0x5: {  	_ = 	snop  }
0x6: {  	_ = 	snop  }
0x7: {  	_ = 	snop  }
__scs_overlays_trampoline_lowered:
0x8: {  	[smem:$0x3FA8] =	sst s0  }
0x9: {  	[smem:$0x3FA9] =	sst s1  }
0xa: {  	[smem:$0x3FAA] =	sst s2  }
0xb: {  	[smem:$0x3FAB] =	sst s3  }
0xc: {  	[smem:$0x3FAC] =	sst s4  }
0xd: {  	[smem:$0x3FAD] =	sst s5  }
0xe: {  	[smem:$0x3FAE] =	sst s6  }
0xf: {  	[smem:$0x3FAF] =	sst s7  }
0x10: {  	[smem:$0x3FB0] =	sst s8  }
0x11: {  	[smem:$0x3FB1] =	sst s9;
	s0 =	simm.s32 @!p0 $0x0  }
0x12: {  	s1 =	sld [smem:$0x3F97];
	s0 =	simm.s32 @p0 $0x1  }
0x13: {  	[smem:$0x3FB2] =	sst s0;
	s0 =	simm.s32 @!p1 $0x0  }
0x14: {  	s2 =	sld [smem:$0x3F96];
	s0 =	simm.s32 @p1 $0x1  }
0x15: {  	[smem:$0x3FB3] =	sst s0;
	s0 =	simm.s32 @!p2 $0x0  }
0x16: {  	s3 =	sld [smem:$0x3FDB];
	s0 =	simm.s32 @p2 $0x1  }
0x17: {  	s4 =	simm.s32 $0x1BF5;
	[smem:$0x3FB5] =	sst s0  }
0x18: {  	s0 =	sld [smem:$0x3F98];
	_ =	swait.ge [sflag:s4], $0x0  }
0x19: {  	s7 =	sld [smem:$0x3F99]  }
0x1a: {  	s8 =	sadd.s32 $0xFFFFE003, lr  }
0x1b: {  	s9 =	sadd.s32 $0xFFFFFEF7, lr;
	s5 =	simm.s32 $0xFFFFFFFF;
	p2 =	slt.u32 s8, $0xFFFFF086  }
0x1c: {  	p1 =	slt.u32 s9, $0xF7A;
	s5 =	simm.s32 @!p2 $0x0  }
0x1d: {  	s5 =	simm.s32 @p1 $0x1;
	p0 =	seq.s32 s7, s2  }
0x1e: {  	s7 =	smul.u32 @!p0 $0xF7A, s2;
	p2 =	seq.s32 @!p0 s5, $0x0  }
0x1f: {  	s9 =	smul.u32 $0xF7A, s1;
	s8 =	simm.s32 @!p0 $0x1BF5;
	p2 =	por !p2, p0  }
0x20: {  	[sflag:s8] =	ssyncset.s32 @!p0 $0xFFFFF086;
	s6 =	sadd.s32 @!p0 s3, s7;
	s7 =	simm.s32 @!p0 $0x108  }
0x21: {  	s3 =	sadd.s32 s3, s9;
	s6 =	sadd.s32 @!p0 $0x88, s6;
	s7 =	simm.s32 @p2 $0x1082  }
0x22: {  	[simem:s7], [sflag:s8] =	dma.local @!p0 [hbm:s6], $0xF7A  }
0x23: {  	s9 =	sor.u32 $0xD0000000, s2;
	s6 =	simm.s32 $0x108;
	_ =	swait.ge @!p0 [sflag:s8], $0x0  }
0x24: {  	s3 =	sadd.s32 $0x88, s3;
	s6 =	simm.s32 @!p1 $0x1082;
	[sflag:s4] =	ssyncset.s32 $0xFFFFF086  }
0x25: {  	[simem:s6], [sflag:s4] =	dma.local [hbm:s3], $0xF7A  }
0x26: {  	[smem:$0x3F99] =	sst s1;
	(tag) =	ssettag s2;
	_ =	strace s9  }
0x27: {  	s1 =	sld [smem:$0x3FA9]  }
0x28: {  	s2 =	sld [smem:$0x3FAA]  }
0x29: {  	s4 =	sld [smem:$0x3FAC]  }
0x2a: {  	p0 =	seq.s32 s5, $0x0;
	s5 =	sld [smem:$0x3FAD]  }
0x2b: {  	s6 =	sld [smem:$0x3FAE]  }
0x2c: {  	s7 =	sld [smem:$0x3FAF]  }
0x2d: {  	s3 =	simm.s32 $0x108;
	s8 =	sld [smem:$0x3FB0]  }
0x2e: {  	s3 =	simm.s32 @!p0 $0x1082;
	s9 =	sld [smem:$0x3FB1]  }
0x2f: {  	lr =	sadd.s32 s0, s3;
	s0 =	sld [smem:$0x3FA8]  }
0x30: {  	s3 =	sld [smem:$0x3FAB]  }
0x31: {  	[smem:$0x3FB4] =	sst s10  }
0x32: {  	s10 =	sld [smem:$0x3FB2];
	_ =	sdelay $0x3  }
0x33: {  	p0 =	seq.s32 s10, $0x1;
	s10 =	sld [smem:$0x3FB4];
	_ =	sdelay $0x3  }
0x34: {  	[smem:$0x3FB4] =	sst s10  }
0x35: {  	s10 =	sld [smem:$0x3FB3];
	_ =	sdelay $0x3  }
0x36: {  	p1 =	seq.s32 s10, $0x1;
	s10 =	sld [smem:$0x3FB4];
	_ =	sdelay $0x3  }
0x37: {  	[smem:$0x3FB4] =	sst s10  }
0x38: {  	s10 =	sld [smem:$0x3FB5]  }
0x39: {  	_ = 	snop;
	(pc) =	sbr.ind lr, $3  }
0x3a: {  	_ = 	snop  }
0x3b: {  	_ = 	snop  }
0x3c: {  	p2 =	seq.s32 s10, $0x1;
	s10 =	sld [smem:$0x3FB4]  }
0x3d: {  	_ =	shalt  }
0x3e: {  	_ =	shalt  }
0x3f: {  	_ =	shalt  }
0x40: {  	_ =	shalt  }
0x41: {  	_ =	shalt  }
0x42: {  	_ =	shalt  }
0x43: {  	_ =	shalt  }
0x44: {  	_ =	shalt  }
0x45: {  	_ =	shalt  }
0x46: {  	_ =	shalt  }
0x47: {  	_ =	shalt  }
0x48: {  	_ =	shalt  }
0x49: {  	_ =	shalt  }
0x4a: {  	_ =	shalt  }
0x4b: {  	_ =	shalt  }
0x4c: {  	_ =	shalt  }
0x4d: {  	_ =	shalt  }
0x4e: {  	_ =	shalt  }
0x4f: {  	_ =	shalt  }
0x50: {  	_ =	shalt  }
0x51: {  	_ =	shalt  }
0x52: {  	_ =	shalt  }
0x53: {  	_ =	shalt  }
0x54: {  	_ =	shalt  }
0x55: {  	_ =	shalt  }
0x56: {  	_ =	shalt  }
0x57: {  	_ =	shalt  }
0x58: {  	_ =	shalt  }
0x59: {  	_ =	shalt  }
0x5a: {  	_ =	shalt  }
0x5b: {  	_ =	shalt  }
0x5c: {  	_ =	shalt  }
0x5d: {  	_ =	shalt  }
0x5e: {  	_ =	shalt  }
0x5f: {  	_ =	shalt  }
0x60: {  	_ =	shalt  }
0x61: {  	_ =	shalt  }
0x62: {  	_ =	shalt  }
0x63: {  	_ =	shalt  }
0x64: {  	_ =	shalt  }
0x65: {  	_ =	shalt  }
0x66: {  	_ =	shalt  }
0x67: {  	_ =	shalt  }
0x68: {  	_ =	shalt  }
0x69: {  	_ =	shalt  }
0x6a: {  	_ =	shalt  }
0x6b: {  	_ =	shalt  }
0x6c: {  	_ =	shalt  }
0x6d: {  	_ =	shalt  }
0x6e: {  	_ =	shalt  }
0x6f: {  	_ =	shalt  }
0x70: {  	_ =	shalt  }
0x71: {  	_ =	shalt  }
0x72: {  	_ =	shalt  }
0x73: {  	_ =	shalt  }
0x74: {  	_ =	shalt  }
0x75: {  	_ =	shalt  }
0x76: {  	_ =	shalt  }
0x77: {  	_ =	shalt  }
0x78: {  	_ =	shalt  }
0x79: {  	_ =	shalt  }
0x7a: {  	_ =	shalt  }
0x7b: {  	_ =	shalt  }
0x7c: {  	_ =	shalt  }
0x7d: {  	_ =	shalt  }
0x7e: {  	_ =	shalt  }
0x7f: {  	_ =	shalt  }
0x80: {  	_ =	shalt  }
0x81: {  	_ =	shalt  }
0x82: {  	_ =	shalt  }
0x83: {  	_ =	shalt  }
0x84: {  	_ =	shalt  }
0x85: {  	_ =	shalt  }
0x86: {  	_ =	shalt  }
0x87: {  	_ =	shalt  }
.Lfunc_end0:
.L_simem_size_0:
called_computation.2_lowered:
.L_overlay_start_0:
0x88: {  	s2 =	sld [smem:$0x3FD9]  }
0x89: {  	s3 =	sld [smem:$0x3FFE];
	_ =	sdelay $0x1  }
0x8a: {  	s1 =	srdreg.scid  }
0x8b: {  	s0 =	sand.u32 $0x1, s1  }
0x8c: {  	s14 =	sshll.u32 s0, $0xA;
	s2 =	sadd.s32 s3, s2  }
0x8d: {  	s2 =	sadd.s32 s2, s14  }
0x8e: {  	[smem:$0x3FC0] =	sst s2  }
0x8f: {  	_ = 	snop  }
0x90: {  	s2 =	sld [smem:$0x3FD0];
	_ =	sdelay $0x2  }
0x91: {  	s15 =	simm.s32 $0xA;
	s4 =	simm.s32 $0x10  }
0x92: {  	[smem:s4], [sflag:s15] =	dma.local [hbm:s2], $0x1  }
0x93: {  	_ =	swait.eq [sflag:s15], $0x1  }
0x94: {  	[sflag:s15] =	ssyncset.done $0x0  }
0x95: {  	s16 =	sld [smem:$0x10];
	[sflag:s15] =	ssyncadd.s32 $0xFFFFFFFF  }
0x96: {  	s17 =	sld [smem:$0x11];
	(tm) =	ssettm $0x1  }
0x97: {  	s18 =	sld [smem:$0x3FFB];
	_ =	sdelay $0x3  }
0x98: {  	_ =	strace s18  }
0x99: {  	s4 =	sld [smem:$0x3FFC];
	_ =	sdelay $0x3  }
0x9a: {  	_ =	strace s4  }
0x9b: {  	s4 =	sld [smem:$0x3FFD];
	_ =	sdelay $0x3  }
0x9c: {  	_ =	strace s4  }
0x9d: {  	_ =	strace $0x8FFFFFFF  }
0x9e: {  	s19 =	sld [smem:$0x3FDB];
	_ =	sdelay $0x1  }
0x9f: {  	s5 =	simm.s32 $_scs_section_size  }
0xa0: {  	s6 =	simm.s32 $_size__tile_overlayer_lowered;
	s7 =	simm.s32 $_tile_overlayer_lowered  }
0xa1: {  	s22 =	simm.s32 $0x1BFF;
	s21 =	sshll.u32 s7, $0x1;
	s4 =	sadd.s32 s5, s19  }
0xa2: {  	s8 =	simm.s32 $0x0;
	s20 =	sshll.u32 s6, $0x1;
	s6 =	sadd.s32 s21, s4  }
0xa3: {  	[timem:s8], [sflag:s22] =	dma.local [hbm:s6], s20  }
0xa4: {  	_ =	swait.ge [sflag:s22], s20  }
0xa5: {  	s5 =	ssub.s32 $0x0, s20;
	[sflag:s22] =	ssyncset.done $0x0  }
0xa6: {  	[sflag:s22] =	ssyncadd.s32 s5;
	_ =	sdelay $0x1  }
0xa7: {  	s23 =	simm.s32 $0x1B8B  }
0xa8: {  	_ =	swait.ge [sflag:s23], $0x1  }
0xa9: {  	[sflag:s23] =	ssyncset.done $0x0  }
0xaa: {  	s25 =	simm.s32 $0x1B8E;
	s24 =	sld [smem:$0x3FFE];
	[sflag:s23] =	ssyncadd.s32 $0xFFFFFFFF  }
0xab: {  	s26 =	simm.s32 $execute0_lowered;
	[smem:$0x3FD2] =	sst s25  }
0xac: {  	s6 =	sshll.u32 s26, $0x1;
	_ =	strace $0x8000004C;
	[dreg:$0x1] =	wrdreg $0xFFFFFFFF  }
0xad: {  	s28 =	simm.s32 $_size_execute0_lowered;
	s4 =	sadd.s32 s4, s6;
	[dreg:$0x0] =	wrdreg $0x0  }
0xae: {  	s6 =	sshll.u32 s28, $0x1;
	[dreg:$0x2] =	wrdreg s4  }
0xaf: {  	[dreg:$0x3] =	wrdreg s6  }
0xb0: {  	[dreg:$0x4] =	wrdreg $0xC0  }
0xb1: {  	_ =	task [dreg:s8], $0x5FFFF  }
0xb2: {  	[dreg:$0x1] =	wrdreg $0xFFFFFFFF  }
0xb3: {  	[dreg:$0x0] =	wrdreg $0x60  }
0xb4: {  	[dreg:$0x2] =	wrdreg s16  }
0xb5: {  	[dreg:$0x3] =	wrdreg s17  }
0xb6: {  	[dreg:$0x4] =	wrdreg s24  }
0xb7: {  	[dreg:$0x5] =	wrdreg $0x0  }
0xb8: {  	[dreg:$0x6] =	wrdreg $0x9  }
0xb9: {  	_ =	task.clear_ibuf [dreg:s8], $0x7FFFF;
	_ =	strace $0x9000004C  }
0xba: {  	s29 =	simm.s32 $0x9;
	_ =	strace $0x8000004E  }
0xbb: {  	_ =	swait.ge [sflag:s29], $0x1  }
0xbc: {  	[sflag:s29] =	ssyncadd.s32 $0xFFFFFFFF  }
0xbd: {  	_ =	strace $0x9000004E  }
0xbe: {  	_ =	sfence  }
0xbf: {  	s30 =	sld [smem:$0x0];
	_ =	sdelay $0x2  }
0xc0: {  	s31 =	sshll.u32 s1, $0xD;
	s1 =	sshrl.u32 s1, $0x2  }
0xc1: {  	s3 =	sand.u32 $0x4000, s31;
	s1 =	sadd.s32 s1, s30  }
0xc2: {  	s0 =	sor.u32 s3, s0;
	s1 =	sshll.u32 s1, $0x11  }
0xc3: {  	s0 =	sor.u32 s1, s0  }
0xc4: {  	s0 =	sadd.s32 $0x8F2B, s0  }
0xc5: {  	[sflag:s0] =	ssyncadd.remote.s32 $0x1  }
0xc6: {  	_ =	sfence.sel $0xFFFF  }
0xc7: {  	[dreg:$0x0] =	wrdreg $0xFFFFFFFF;
	(pc) =	sbr.abs _section_cstart, $3  }
0xc8: {  	[dreg:$0x1] =	wrdreg $0xFFFFFFFF  }
0xc9: {  	_ =	task.clear_ibuf [dreg:s8], $0x2FFFF;
	_ =	strace $0x9FFFFFFF  }
0xca: {  	(tm) =	ssettm $0x7FFFFFFF  }
0xcb: {  	_ =	shalt  }
tec
execute0_lowered:
.L_overlay_start_1:
0x0: {  	(tag) =	ssettag $0x1  }
0x1: {  	s10 =	rddreg [dreg:$0x0]  }
0x2: {  	s11 =	rddreg [dreg:$0x1]  }
0x3: {  	s6 =	rddreg [dreg:$0x2]  }
0x4: {  	s1 =	rddreg [dreg:$0x3]  }
0x5: {  	s2 =	srdreg.scid;
	s3 =	simm.s32 $0x0;
	s17 =	simm.s32 $0x3  }
0x6: {  	s18 =	simm.s32 $0x14000;
	s19 =	simm.s32 $0x14100;
	s20 =	simm.s32 $0x80  }
0x7: {  	s21 =	simm.s32 $0x14200;
	s22 =	simm.s32 $0x14080;
	s23 =	simm.s32 $0x14180  }
0x8: {  	s24 =	simm.s32 $0x18200;
	s7 =	sand.u32 $0x1, s2;
	s2 =	stileid.u32  }
0x9: {  	s28 =	simm.s32 $0x0;
	[smem:$0x7FF] =	sst s3;
	s5 =	smul.u32 $0x140000, s7  }
0xa: {  	s4 =	sadd.s32 $0x2800, s6;
	s8 =	smul.u32 $0x14000, s2;
	_ =	strace $0x8000004D  }
0xb: {  	s9 =	ssub.s32 $0x2, s7;
	s12 =	smul.u32 $0x50000, s2;
	s26 =	sshll.u32 s2, $0x5  }
0xc: {  	s29 =	sshll.u32 s2, $0x6;
	p0 =	seq.s32 s7, $0x0;
	s7 =	simm.s32 $0x3E  }
0xd: {  	s13 =	sshrl.u32 s9, $0x1;
	s7 =	simm.s32 @!p0 $0xF;
	s8 =	sadd.s32 s8, s5  }
0xe: {  	s5 =	sadd.s32 $0x2A800, s6;
	s13 =	ssub.s32 s9, s13;
	s25 =	sshrl.u32 s12, $0x2  }
0xf: {  	s12 =	sadd.s32 $0x7E0, s26;
	s26 =	simm.s32 $0x2;
	s8 =	sshrl.u32 s8, $0x3  }
0x10: {  	s16 =	sadd.s32 s25, s1;
	s14 =	sadd.s32 s8, s6;
	s8 =	smul.u32 $0x7E, s2  }
0x11: {  	s13 =	smax.u32 s13, $0x1;
	s25 =	simm.s32 $0x1;
	s6 =	sor.u32 $0x1C03, s29  }
0x12: {  	s16 =	sshrl.u32 s16, $0x3;
	s12 =	smov.u32 @p0 s8;
	s8 =	simm.s32 $0x3E80  }
0x13: {  	s30 =	sshll.u32 s12, $0x7;
	s8 =	simm.s32 @!p0 $0xF80;
	s12 =	sshll.u32 s12, $0x4  }
0x14: {  	s15 =	sadd.s32 s8, s30;
	s8 =	sadd.s32 s10, s12;
	s9 =	sadd.s32 s11, s12  }
0x15: {  	s12 =	sadd.s32 $0x2D000, s14;
	s31 =	sshrl.u32 s15, $0x3;
	s14 =	sadd.s32 $0x20, s9  }
0x16: {  	s15 =	sadd.s32 $0x20, s8;
	s10 =	sadd.s32 s10, s31;
	s11 =	sadd.s32 s11, s31  }
.LBB2_1:
0x17: {  	[spmem:s16], [sflag:s6] =	dma.local [hbm:s5], $0x2800  }
0x18: {  	_ =	swait.ge [sflag:s17], $0x2800  }
0x19: {  	[sflag:s17] =	ssyncset.done $0x0  }
0x1a: {  	[sflag:s17] =	ssyncadd.s32 $0xFFFFD800  }
0x1b: {  	[bflag:$0x0] =	sbarrier.arrive $0xFFFF  }
0x1c: {  	[tilespmem:s18], [sflag:$0x3] =	stream.linear.gather [hbm4b:s8+s3], $0x80, $0x38;
	[tilespmem:$0x1C200] =	vst v63  }
0x1d: {  	_ =	swait.ge [sflag:s17], $0x80  }
0x1e: {  	[sflag:s17] =	ssyncset.done $0x0  }
0x1f: {  	p1 =	sne.s32 s7, $0x1;
	[sflag:s17] =	ssyncadd.s32 $0xFFFFFF80  }
0x20: {  	[tilespmem:s19], [sflag:$0x3] =	stream.linear.gather [hbm4b:s9+s3], $0x80, $0x38;
	[tilespmem:$0x1C200] =	vst v63  }
.Ltmp0:
0x21: {  	_ = 	snop;
	(pc) =	sbr.rel @!p1 .LBB2_5-.Ltmp0, $4  }
0x22: {  	_ =	swait.ge [sflag:s17], $0x80  }
0x23: {  	s31 =	sadd.s32 $0xFFFFFFFF, s7;
	p0 =	por $0x0, $0x0;
	[sflag:s17] =	ssyncset.done $0x0  }
0x24: {  	s29 =	smov.u32 s15;
	s30 =	smov.u32 s14;
	[sflag:s17] =	ssyncadd.s32 $0xFFFFFF80  }
0x25: {  	[tilespmem:s21], [sflag:$0x1] =	stream.indirect.gather [hbm4b:s4+s20], $0x80, s18, s20, $0xb8;
	[tilespmem:$0x1C200] =	vst v63  }
0x26: {  	s29 =	sadd.s32 $0xFFFFFFF0, s15  }
0x27: {  	[tilespmem:s22], [sflag:$0x3] =	stream.linear.gather [hbm4b:s29+s3], $0x80, $0x38;
	[tilespmem:$0x1C200] =	vst v63  }
0x28: {  	_ =	swait.ge [sflag:s17], $0x80  }
0x29: {  	[sflag:s17] =	ssyncset.done $0x0  }
0x2a: {  	s29 =	sadd.s32 $0xFFFFFFF0, s14;
	[sflag:s17] =	ssyncadd.s32 $0xFFFFFF80  }
0x2b: {  	[tilespmem:s23], [sflag:$0x3] =	stream.linear.gather [hbm4b:s29+s3], $0x80, $0x38;
	[tilespmem:$0x1C200] =	vst v63  }
0x2c: {  	_ =	swait.ge [sflag:s17], $0x80  }
0x2d: {  	[sflag:s17] =	ssyncset.done $0x0  }
0x2e: {  	[sflag:s17] =	ssyncadd.s32 $0xFFFFFF80  }
0x2f: {  	[tilespmem:s24], [sflag:$0x2] =	stream.indirect.gather [hbm4b:s4+s20], $0x80, s22, s20, $0xb8;
	[tilespmem:$0x1C200] =	vst v63  }
0x30: {  	_ =	swait.ge [sflag:s25], $0x4000  }
0x31: {  	[sflag:s25] =	ssyncset.done $0x0  }
0x32: {  	[sflag:s25] =	ssyncadd.s32 $0xFFFFC000  }
0x33: {  	[spmem:s1] =	stream.indirect.scatter.add.f32 [tilespmem:s21], [sflag:$0x3], $0x80, s19, s20, $0xb8;
	[tilespmem:$0x1C200] =	vst v63  }
0x34: {  	_ =	swait.ge [sflag:s17], $0x4000  }
0x35: {  	[sflag:s17] =	ssyncset.done $0x0  }
0x36: {  	[sflag:s17] =	ssyncadd.s32 $0xFFFFC000  }
0x37: {  	[tilespmem:s18], [sflag:$0x3] =	stream.linear.gather [hbm4b:s15+s3], $0x80, $0x38;
	[tilespmem:$0x1C200] =	vst v63  }
0x38: {  	_ =	swait.ge [sflag:s17], $0x80  }
0x39: {  	[sflag:s17] =	ssyncset.done $0x0  }
0x3a: {  	[sflag:s17] =	ssyncadd.s32 $0xFFFFFF80  }
0x3b: {  	[tilespmem:s19], [sflag:$0x3] =	stream.linear.gather [hbm4b:s14+s3], $0x80, $0x38;
	[tilespmem:$0x1C200] =	vst v63  }
0x3c: {  	_ =	swait.ge [sflag:s17], $0x80  }
0x3d: {  	[sflag:s17] =	ssyncset.done $0x0  }
0x3e: {  	[sflag:s17] =	ssyncadd.s32 $0xFFFFFF80  }
0x3f: {  	[tilespmem:s21], [sflag:$0x1] =	stream.indirect.gather [hbm4b:s4+s20], $0x80, s18, s20, $0xb8;
	[tilespmem:$0x1C200] =	vst v63  }
0x40: {  	p1 =	sne.s32 s31, $0x1;
	_ =	swait.ge [sflag:s26], $0x4000  }
.Ltmp1:
0x41: {  	[sflag:s26] =	ssyncset.done $0x0;
	(pc) =	sbr.rel @!p1 .LBB2_3-.Ltmp1, $4  }
0x42: {  	[sflag:s26] =	ssyncadd.s32 $0xFFFFC000  }
0x43: {  	[spmem:s1] =	stream.indirect.scatter.add.f32 [tilespmem:s24], [sflag:$0x3], $0x80, s23, s20, $0xb8;
	[tilespmem:$0x1C200] =	vst v63  }
0x44: {  	s31 =	sadd.s32 $0xFFFFFFFF, s31;
	p0 =	por $0x1, $0x1;
	_ =	swait.ge [sflag:s17], $0x4000  }
0x45: {  	s30 =	smov.u32 s14;
	s29 =	sadd.s32 $0x20, s15;
	[sflag:s17] =	ssyncset.done $0x0  }
.LBB2_4:
0x46: {  	s0 =	sadd.s32 $0xFFFFFFF0, s29;
	[sflag:s17] =	ssyncadd.s32 $0xFFFFC000;
	s30 =	sadd.s32 $0x20, s30  }
0x47: {  	[tilespmem:s22], [sflag:$0x3] =	stream.linear.gather [hbm4b:s0+s3], $0x80, $0x38;
	[tilespmem:$0x1C200] =	vst v63  }
0x48: {  	p1 =	sne.s32 s31, $0x1;
	s31 =	sadd.s32 $0xFFFFFFFF, s31;
	_ =	swait.ge [sflag:s17], $0x80  }
0x49: {  	[sflag:s17] =	ssyncset.done $0x0  }
0x4a: {  	s0 =	sadd.s32 $0xFFFFFFF0, s30;
	[sflag:s17] =	ssyncadd.s32 $0xFFFFFF80  }
0x4b: {  	[tilespmem:s23], [sflag:$0x3] =	stream.linear.gather [hbm4b:s0+s3], $0x80, $0x38;
	[tilespmem:$0x1C200] =	vst v63  }
0x4c: {  	_ =	swait.ge [sflag:s17], $0x80  }
0x4d: {  	[sflag:s17] =	ssyncset.done $0x0  }
0x4e: {  	[sflag:s17] =	ssyncadd.s32 $0xFFFFFF80  }
0x4f: {  	[tilespmem:s24], [sflag:$0x2] =	stream.indirect.gather [hbm4b:s4+s20], $0x80, s22, s20, $0xb8;
	[tilespmem:$0x1C200] =	vst v63  }
0x50: {  	_ =	swait.ge [sflag:s25], $0x4000  }
0x51: {  	[sflag:s25] =	ssyncset.done $0x0  }
0x52: {  	[sflag:s25] =	ssyncadd.s32 $0xFFFFC000  }
0x53: {  	[spmem:s1] =	stream.indirect.scatter.add.f32 [tilespmem:s21], [sflag:$0x3], $0x80, s19, s20, $0xb8;
	[tilespmem:$0x1C200] =	vst v63  }
0x54: {  	_ =	swait.ge [sflag:s17], $0x4000  }
0x55: {  	[sflag:s17] =	ssyncset.done $0x0  }
0x56: {  	[sflag:s17] =	ssyncadd.s32 $0xFFFFC000  }
0x57: {  	[tilespmem:s18], [sflag:$0x3] =	stream.linear.gather [hbm4b:s29+s3], $0x80, $0x38;
	[tilespmem:$0x1C200] =	vst v63  }
0x58: {  	_ =	swait.ge [sflag:s17], $0x80  }
0x59: {  	[sflag:s17] =	ssyncset.done $0x0  }
0x5a: {  	[sflag:s17] =	ssyncadd.s32 $0xFFFFFF80  }
0x5b: {  	[tilespmem:s19], [sflag:$0x3] =	stream.linear.gather [hbm4b:s30+s3], $0x80, $0x38;
	[tilespmem:$0x1C200] =	vst v63  }
0x5c: {  	_ =	swait.ge [sflag:s17], $0x80  }
0x5d: {  	[sflag:s17] =	ssyncset.done $0x0  }
0x5e: {  	[sflag:s17] =	ssyncadd.s32 $0xFFFFFF80  }
0x5f: {  	[tilespmem:s21], [sflag:$0x1] =	stream.indirect.gather [hbm4b:s4+s20], $0x80, s18, s20, $0xb8;
	[tilespmem:$0x1C200] =	vst v63  }
0x60: {  	_ =	swait.ge [sflag:s26], $0x4000  }
.Ltmp2:
0x61: {  	[sflag:s26] =	ssyncset.done $0x0;
	(pc) =	sbr.rel @p1 .LBB2_4-.Ltmp2, $4  }
0x62: {  	[sflag:s26] =	ssyncadd.s32 $0xFFFFC000  }
0x63: {  	[spmem:s1] =	stream.indirect.scatter.add.f32 [tilespmem:s24], [sflag:$0x3], $0x80, s23, s20, $0xb8;
	[tilespmem:$0x1C200] =	vst v63  }
0x64: {  	_ =	swait.ge [sflag:s17], $0x4000  }
0x65: {  	s29 =	sadd.s32 $0x20, s29;
	[sflag:s17] =	ssyncset.done $0x0  }
.LBB2_5:
0x66: {  	s0 =	sadd.s32 $0xFFFFFFF0, s29;
	[sflag:s17] =	ssyncadd.s32 @p0 $0xFFFFC000  }
0x67: {  	[tilespmem:s22], [sflag:$0x3] =	stream.linear.gather [hbm4b:s0+s3], $0x80, $0x38;
	[tilespmem:$0x1C200] =	vst v63  }
0x68: {  	s0 =	sadd.s32 @p0 $0x20, s30;
	s30 =	smov.u32 s14;
	_ =	swait.ge [sflag:s17], $0x80  }
0x69: {  	s30 =	smov.u32 @p0 s0;
	[sflag:s17] =	ssyncset.done $0x0  }
0x6a: {  	s0 =	sadd.s32 $0xFFFFFFF0, s30;
	[sflag:s17] =	ssyncadd.s32 $0xFFFFFF80  }
0x6b: {  	[tilespmem:s23], [sflag:$0x3] =	stream.linear.gather [hbm4b:s0+s3], $0x80, $0x38;
	[tilespmem:$0x1C200] =	vst v63  }
0x6c: {  	_ =	swait.ge [sflag:s17], $0x80  }
0x6d: {  	[sflag:s17] =	ssyncset.done $0x0  }
0x6e: {  	[sflag:s17] =	ssyncadd.s32 $0xFFFFFF80  }
0x6f: {  	[tilespmem:s24], [sflag:$0x2] =	stream.indirect.gather [hbm4b:s4+s20], $0x80, s22, s20, $0xb8;
	[tilespmem:$0x1C200] =	vst v63  }
0x70: {  	_ =	swait.ge [sflag:s25], $0x4000  }
0x71: {  	[sflag:s25] =	ssyncset.done $0x0  }
0x72: {  	[sflag:s25] =	ssyncadd.s32 $0xFFFFC000  }
0x73: {  	[spmem:s1] =	stream.indirect.scatter.add.f32 [tilespmem:s21], [sflag:$0x3], $0x80, s19, s20, $0xb8;
	[tilespmem:$0x1C200] =	vst v63  }
0x74: {  	_ =	swait.ge [sflag:s17], $0x4000  }
0x75: {  	[sflag:s17] =	ssyncset.done $0x0  }
0x76: {  	[sflag:s17] =	ssyncadd.s32 $0xFFFFC000  }
0x77: {  	[tilespmem:s18], [sflag:$0x3] =	stream.linear.gather [hbm4b:s29+s3], $0x80, $0x38;
	[tilespmem:$0x1C200] =	vst v63  }
0x78: {  	_ =	swait.ge [sflag:s17], $0x80  }
0x79: {  	[sflag:s17] =	ssyncset.done $0x0  }
0x7a: {  	[sflag:s17] =	ssyncadd.s32 $0xFFFFFF80  }
0x7b: {  	[tilespmem:s19], [sflag:$0x3] =	stream.linear.gather [hbm4b:s30+s3], $0x80, $0x38;
	[tilespmem:$0x1C200] =	vst v63  }
0x7c: {  	_ =	swait.ge [sflag:s17], $0x80  }
0x7d: {  	[sflag:s17] =	ssyncset.done $0x0  }
0x7e: {  	[sflag:s17] =	ssyncadd.s32 $0xFFFFFF80  }
0x7f: {  	[tilespmem:s21], [sflag:$0x1] =	stream.indirect.gather [hbm4b:s4+s20], $0x80, s18, s20, $0xb8;
	[tilespmem:$0x1C200] =	vst v63  }
0x80: {  	_ =	swait.ge [sflag:s26], $0x4000  }
0x81: {  	[sflag:s26] =	ssyncset.done $0x0  }
0x82: {  	[sflag:s26] =	ssyncadd.s32 $0xFFFFC000  }
0x83: {  	[spmem:s1] =	stream.indirect.scatter.add.f32 [tilespmem:s24], [sflag:$0x3], $0x80, s23, s20, $0xb8;
	[tilespmem:$0x1C200] =	vst v63  }
0x84: {  	_ =	swait.ge [sflag:s17], $0x4000  }
0x85: {  	[sflag:s17] =	ssyncset.done $0x0  }
0x86: {  	[sflag:s17] =	ssyncadd.s32 $0xFFFFC000  }
0x87: {  	[tilespmem:s22], [sflag:$0x3] =	stream.linear.gather [hbm4b:s10+s3], $0x80, $0x38;
	[tilespmem:$0x1C200] =	vst v63  }
0x88: {  	_ =	swait.ge [sflag:s17], $0x80  }
0x89: {  	[sflag:s17] =	ssyncset.done $0x0  }
0x8a: {  	[sflag:s17] =	ssyncadd.s32 $0xFFFFFF80  }
0x8b: {  	[tilespmem:s23], [sflag:$0x3] =	stream.linear.gather [hbm4b:s11+s3], $0x80, $0x38;
	[tilespmem:$0x1C200] =	vst v63  }
0x8c: {  	_ =	swait.ge [sflag:s17], $0x80  }
0x8d: {  	[sflag:s17] =	ssyncset.done $0x0  }
0x8e: {  	[sflag:s17] =	ssyncadd.s32 $0xFFFFFF80  }
0x8f: {  	[tilespmem:s24], [sflag:$0x2] =	stream.indirect.gather [hbm4b:s4+s20], $0x80, s22, s20, $0xb8;
	[tilespmem:$0x1C200] =	vst v63  }
0x90: {  	_ =	swait.ge [sflag:s25], $0x4000  }
0x91: {  	[sflag:s25] =	ssyncset.done $0x0  }
0x92: {  	[sflag:s25] =	ssyncadd.s32 $0xFFFFC000  }
0x93: {  	[spmem:s1] =	stream.indirect.scatter.add.f32 [tilespmem:s21], [sflag:$0x3], $0x80, s19, s20, $0xb8;
	[tilespmem:$0x1C200] =	vst v63  }
0x94: {  	_ =	swait.ge [sflag:s17], $0x4000  }
0x95: {  	[sflag:s17] =	ssyncset.done $0x0  }
0x96: {  	[sflag:s17] =	ssyncadd.s32 $0xFFFFC000  }
0x97: {  	_ =	swait.ge [sflag:s26], $0x4000  }
0x98: {  	[sflag:s26] =	ssyncset.done $0x0  }
0x99: {  	[sflag:s26] =	ssyncadd.s32 $0xFFFFC000  }
0x9a: {  	[spmem:s1] =	stream.indirect.scatter.add.f32 [tilespmem:s24], [sflag:$0x3], $0x80, s23, s20, $0xb8;
	[tilespmem:$0x1C200] =	vst v63  }
0x9b: {  	_ =	swait.ge [sflag:s17], $0x4000  }
0x9c: {  	[sflag:s17] =	ssyncset.done $0x0  }
0x9d: {  	s28 =	sadd.s32 $0x1, s28;
	[sflag:s17] =	ssyncadd.s32 $0xFFFFC000  }
0x9e: {  	p0 =	sne.s32 s28, s13;
	[bflag:$0x0] =	sbarrier.arrive $0xFFFF  }
0x9f: {  	[hbm:s12], [sflag:s6] =	dma.local [spmem:s16], $0x2800  }
.Ltmp3:
0xa0: {  	_ = 	snop;
	(pc) =	sbr.rel @p0 .LBB2_1-.Ltmp3, $4  }
.Ltmp4:
0xa1: {  	_ = 	snop;
	(pc) =	sbr.rel @!p0 .LBB2_6-.Ltmp4, $4  }
0xa2: {  	_ =	swait.ge [sflag:s17], $0x2800  }
0xa3: {  	[sflag:s17] =	ssyncset.done $0x0  }
0xa4: {  	[sflag:s17] =	ssyncadd.s32 $0xFFFFD800  }
0xa5: {  	_ = 	snop  }
.LBB2_3:
.Ltmp5:
0xa6: {  	(pc) =	sbr.rel .LBB2_5-.Ltmp5, $2  }
0xa7: {  	_ =	sdelay $0x2  }
0xa8: {  	s30 =	smov.u32 s14  }
.LBB2_6:
0xa9: {  	_ =	sfence.sel $0x180000  }
0xaa: {  	[bflag:$0x0] =	sbarrier.arrive $0xFFFF  }
0xab: {  	_ =	strace $0x9000004D  }
0xac: {  	[bflag:$0x2] =	sbarrier.arrive $0xFFFF  }
0xad: {  	p0 =	sne.s32 s2, $0x0;
	s0 =	rddreg [dreg:$0x4]  }
0xae: {  	s0 =	sadd.s32 @!p0 $0x100000, s0  }
0xaf: {  	[sflag:s0] =	ssyncadd.tile.s32 @!p0 $0x1;
	_ =	shalt  }
.Lfunc_end2:
_tile_overlayer_lowered:
.L_overlay_start_2:
0xb0: {  	(tag) =	ssettag $0x2  }
0xb1: {  	s0 =	rddreg [dreg:$0x0];
	s2 =	stileid.u32  }
0xb2: {  	s1 =	rddreg [dreg:$0x1];
	p0 =	sne.s32 s2, $0x0  }
0xb3: {  	s3 =	rddreg [dreg:$0x2];
	[bflag:$0x3] =	sbarrier.arrive $0xFFFF;
	s2 =	simm.s32 @!p0 $0x1C03  }
0xb4: {  	[timem:s3], [sflag:s2] =	dma.local @!p0 [hbm:s0], s1  }
0xb5: {  	s0 =	simm.s32 @!p0 $0x3  }
0xb6: {  	_ =	swait.ge @!p0 [sflag:s0], s1  }
0xb7: {  	s1 =	ssub.s32 @!p0 $0x0, s1;
	[sflag:s0] =	ssyncset.done @!p0 $0x0  }
0xb8: {  	[sflag:s0] =	ssyncadd.s32 @!p0 s1  }
0xb9: {  	[bflag:$0x3] =	sbarrier.arrive $0xFFFF  }
0xba: {  	_ =	shalt  }

// kernel: kernel.8.cloned.1.call-start
scs
__scs_entry_jumppad:
0x0: {  	(pc) =	sbr.rel $0x88, $3  }
0x1: {  	(tag) =	ssettag $0x0;
	lr =	simm.s32 $0x1  }
0x2: {  	[smem:$0x3F99] =	sst lr;
	_ =	strace $0xD0000000  }
0x3: {  	_ = 	snop  }
0x4: {  	_ = 	snop  }
0x5: {  	_ = 	snop  }
0x6: {  	_ = 	snop  }
0x7: {  	_ = 	snop  }
__scs_overlays_trampoline_lowered:
0x8: {  	[smem:$0x3FA8] =	sst s0  }
0x9: {  	[smem:$0x3FA9] =	sst s1  }
0xa: {  	[smem:$0x3FAA] =	sst s2  }
0xb: {  	[smem:$0x3FAB] =	sst s3  }
0xc: {  	[smem:$0x3FAC] =	sst s4  }
0xd: {  	[smem:$0x3FAD] =	sst s5  }
0xe: {  	[smem:$0x3FAE] =	sst s6  }
0xf: {  	[smem:$0x3FAF] =	sst s7  }
0x10: {  	[smem:$0x3FB0] =	sst s8  }
0x11: {  	[smem:$0x3FB1] =	sst s9;
	s0 =	simm.s32 @!p0 $0x0  }
0x12: {  	s1 =	sld [smem:$0x3F97];
	s0 =	simm.s32 @p0 $0x1  }
0x13: {  	[smem:$0x3FB2] =	sst s0;
	s0 =	simm.s32 @!p1 $0x0  }
0x14: {  	s2 =	sld [smem:$0x3F96];
	s0 =	simm.s32 @p1 $0x1  }
0x15: {  	[smem:$0x3FB3] =	sst s0;
	s0 =	simm.s32 @!p2 $0x0  }
0x16: {  	s3 =	sld [smem:$0x3FDB];
	s0 =	simm.s32 @p2 $0x1  }
0x17: {  	s4 =	simm.s32 $0x1BF5;
	[smem:$0x3FB5] =	sst s0  }
0x18: {  	s0 =	sld [smem:$0x3F98];
	_ =	swait.ge [sflag:s4], $0x0  }
0x19: {  	s7 =	sld [smem:$0x3F99]  }
0x1a: {  	s8 =	sadd.s32 $0xFFFFE003, lr  }
0x1b: {  	s9 =	sadd.s32 $0xFFFFFEF7, lr;
	s5 =	simm.s32 $0xFFFFFFFF;
	p2 =	slt.u32 s8, $0xFFFFF086  }
0x1c: {  	p1 =	slt.u32 s9, $0xF7A;
	s5 =	simm.s32 @!p2 $0x0  }
0x1d: {  	s5 =	simm.s32 @p1 $0x1;
	p0 =	seq.s32 s7, s2  }
0x1e: {  	s7 =	smul.u32 @!p0 $0xF7A, s2;
	p2 =	seq.s32 @!p0 s5, $0x0  }
0x1f: {  	s9 =	smul.u32 $0xF7A, s1;
	s8 =	simm.s32 @!p0 $0x1BF5;
	p2 =	por !p2, p0  }
0x20: {  	[sflag:s8] =	ssyncset.s32 @!p0 $0xFFFFF086;
	s6 =	sadd.s32 @!p0 s3, s7;
	s7 =	simm.s32 @!p0 $0x108  }
0x21: {  	s3 =	sadd.s32 s3, s9;
	s6 =	sadd.s32 @!p0 $0x88, s6;
	s7 =	simm.s32 @p2 $0x1082  }
0x22: {  	[simem:s7], [sflag:s8] =	dma.local @!p0 [hbm:s6], $0xF7A  }
0x23: {  	s9 =	sor.u32 $0xD0000000, s2;
	s6 =	simm.s32 $0x108;
	_ =	swait.ge @!p0 [sflag:s8], $0x0  }
0x24: {  	s3 =	sadd.s32 $0x88, s3;
	s6 =	simm.s32 @!p1 $0x1082;
	[sflag:s4] =	ssyncset.s32 $0xFFFFF086  }
0x25: {  	[simem:s6], [sflag:s4] =	dma.local [hbm:s3], $0xF7A  }
0x26: {  	[smem:$0x3F99] =	sst s1;
	(tag) =	ssettag s2;
	_ =	strace s9  }
0x27: {  	s1 =	sld [smem:$0x3FA9]  }
0x28: {  	s2 =	sld [smem:$0x3FAA]  }
0x29: {  	s4 =	sld [smem:$0x3FAC]  }
0x2a: {  	p0 =	seq.s32 s5, $0x0;
	s5 =	sld [smem:$0x3FAD]  }
0x2b: {  	s6 =	sld [smem:$0x3FAE]  }
0x2c: {  	s7 =	sld [smem:$0x3FAF]  }
0x2d: {  	s3 =	simm.s32 $0x108;
	s8 =	sld [smem:$0x3FB0]  }
0x2e: {  	s3 =	simm.s32 @!p0 $0x1082;
	s9 =	sld [smem:$0x3FB1]  }
0x2f: {  	lr =	sadd.s32 s0, s3;
	s0 =	sld [smem:$0x3FA8]  }
0x30: {  	s3 =	sld [smem:$0x3FAB]  }
0x31: {  	[smem:$0x3FB4] =	sst s10  }
0x32: {  	s10 =	sld [smem:$0x3FB2];
	_ =	sdelay $0x3  }
0x33: {  	p0 =	seq.s32 s10, $0x1;
	s10 =	sld [smem:$0x3FB4];
	_ =	sdelay $0x3  }
0x34: {  	[smem:$0x3FB4] =	sst s10  }
0x35: {  	s10 =	sld [smem:$0x3FB3];
	_ =	sdelay $0x3  }
0x36: {  	p1 =	seq.s32 s10, $0x1;
	s10 =	sld [smem:$0x3FB4];
	_ =	sdelay $0x3  }
0x37: {  	[smem:$0x3FB4] =	sst s10  }
0x38: {  	s10 =	sld [smem:$0x3FB5]  }
0x39: {  	_ = 	snop;
	(pc) =	sbr.ind lr, $3  }
0x3a: {  	_ = 	snop  }
0x3b: {  	_ = 	snop  }
0x3c: {  	p2 =	seq.s32 s10, $0x1;
	s10 =	sld [smem:$0x3FB4]  }
0x3d: {  	_ =	shalt  }
0x3e: {  	_ =	shalt  }
0x3f: {  	_ =	shalt  }
0x40: {  	_ =	shalt  }
0x41: {  	_ =	shalt  }
0x42: {  	_ =	shalt  }
0x43: {  	_ =	shalt  }
0x44: {  	_ =	shalt  }
0x45: {  	_ =	shalt  }
0x46: {  	_ =	shalt  }
0x47: {  	_ =	shalt  }
0x48: {  	_ =	shalt  }
0x49: {  	_ =	shalt  }
0x4a: {  	_ =	shalt  }
0x4b: {  	_ =	shalt  }
0x4c: {  	_ =	shalt  }
0x4d: {  	_ =	shalt  }
0x4e: {  	_ =	shalt  }
0x4f: {  	_ =	shalt  }
0x50: {  	_ =	shalt  }
0x51: {  	_ =	shalt  }
0x52: {  	_ =	shalt  }
0x53: {  	_ =	shalt  }
0x54: {  	_ =	shalt  }
0x55: {  	_ =	shalt  }
0x56: {  	_ =	shalt  }
0x57: {  	_ =	shalt  }
0x58: {  	_ =	shalt  }
0x59: {  	_ =	shalt  }
0x5a: {  	_ =	shalt  }
0x5b: {  	_ =	shalt  }
0x5c: {  	_ =	shalt  }
0x5d: {  	_ =	shalt  }
0x5e: {  	_ =	shalt  }
0x5f: {  	_ =	shalt  }
0x60: {  	_ =	shalt  }
0x61: {  	_ =	shalt  }
0x62: {  	_ =	shalt  }
0x63: {  	_ =	shalt  }
0x64: {  	_ =	shalt  }
0x65: {  	_ =	shalt  }
0x66: {  	_ =	shalt  }
0x67: {  	_ =	shalt  }
0x68: {  	_ =	shalt  }
0x69: {  	_ =	shalt  }
0x6a: {  	_ =	shalt  }
0x6b: {  	_ =	shalt  }
0x6c: {  	_ =	shalt  }
0x6d: {  	_ =	shalt  }
0x6e: {  	_ =	shalt  }
0x6f: {  	_ =	shalt  }
0x70: {  	_ =	shalt  }
0x71: {  	_ =	shalt  }
0x72: {  	_ =	shalt  }
0x73: {  	_ =	shalt  }
0x74: {  	_ =	shalt  }
0x75: {  	_ =	shalt  }
0x76: {  	_ =	shalt  }
0x77: {  	_ =	shalt  }
0x78: {  	_ =	shalt  }
0x79: {  	_ =	shalt  }
0x7a: {  	_ =	shalt  }
0x7b: {  	_ =	shalt  }
0x7c: {  	_ =	shalt  }
0x7d: {  	_ =	shalt  }
0x7e: {  	_ =	shalt  }
0x7f: {  	_ =	shalt  }
0x80: {  	_ =	shalt  }
0x81: {  	_ =	shalt  }
0x82: {  	_ =	shalt  }
0x83: {  	_ =	shalt  }
0x84: {  	_ =	shalt  }
0x85: {  	_ =	shalt  }
0x86: {  	_ =	shalt  }
0x87: {  	_ =	shalt  }
.Lfunc_end0:
.L_simem_size_0:
called_computation_lowered:
.L_overlay_start_0:
0x88: {  	s2 =	sld [smem:$0x3FD9]  }
0x89: {  	s3 =	sld [smem:$0x3FFE];
	_ =	sdelay $0x1  }
0x8a: {  	s1 =	srdreg.scid  }
0x8b: {  	s0 =	sand.u32 $0x1, s1  }
0x8c: {  	s14 =	sshll.u32 s0, $0xA;
	s2 =	sadd.s32 s3, s2  }
0x8d: {  	s2 =	sadd.s32 s2, s14  }
0x8e: {  	[smem:$0x3FC0] =	sst s2  }
0x8f: {  	_ = 	snop  }
0x90: {  	s2 =	sld [smem:$0x3FD0];
	_ =	sdelay $0x2  }
0x91: {  	s15 =	simm.s32 $0xA;
	s4 =	simm.s32 $0x10  }
0x92: {  	[smem:s4], [sflag:s15] =	dma.local [hbm:s2], $0x1  }
0x93: {  	_ =	swait.eq [sflag:s15], $0x1  }
0x94: {  	[sflag:s15] =	ssyncset.done $0x0  }
0x95: {  	[sflag:s15] =	ssyncadd.s32 $0xFFFFFFFF  }
0x96: {  	s16 =	sld [smem:$0x11];
	(tm) =	ssettm $0x1  }
0x97: {  	s17 =	sld [smem:$0x3FFB];
	_ =	sdelay $0x3  }
0x98: {  	_ =	strace s17  }
0x99: {  	s3 =	sld [smem:$0x3FFC];
	_ =	sdelay $0x3  }
0x9a: {  	_ =	strace s3  }
0x9b: {  	s3 =	sld [smem:$0x3FFD];
	_ =	sdelay $0x3  }
0x9c: {  	_ =	strace s3  }
0x9d: {  	_ =	strace $0x8FFFFFFF  }
0x9e: {  	s18 =	sld [smem:$0x3FDB];
	_ =	sdelay $0x1  }
0x9f: {  	s19 =	simm.s32 $_scs_section_size  }
0xa0: {  	s5 =	simm.s32 $_size__tile_overlayer_lowered;
	s6 =	simm.s32 $_tile_overlayer_lowered  }
0xa1: {  	s22 =	simm.s32 $0x1BFF;
	s21 =	sshll.u32 s6, $0x1;
	s3 =	sadd.s32 s19, s18  }
0xa2: {  	s7 =	simm.s32 $0x0;
	s20 =	sshll.u32 s5, $0x1;
	s5 =	sadd.s32 s21, s3  }
0xa3: {  	[timem:s7], [sflag:s22] =	dma.local [hbm:s5], s20  }
0xa4: {  	_ =	swait.ge [sflag:s22], s20  }
0xa5: {  	s4 =	ssub.s32 $0x0, s20;
	[sflag:s22] =	ssyncset.done $0x0  }
0xa6: {  	[sflag:s22] =	ssyncadd.s32 s4;
	_ =	sdelay $0x1  }
0xa7: {  	s23 =	simm.s32 $0x1B8B  }
0xa8: {  	_ =	swait.ge [sflag:s23], $0x1  }
0xa9: {  	[sflag:s23] =	ssyncset.done $0x0  }
0xaa: {  	s25 =	simm.s32 $0x1B8E;
	s24 =	sld [smem:$0x3FFE];
	[sflag:s23] =	ssyncadd.s32 $0xFFFFFFFF  }
0xab: {  	s26 =	simm.s32 $execute0_lowered;
	[smem:$0x3FD2] =	sst s25  }
0xac: {  	s5 =	sshll.u32 s26, $0x1;
	_ =	strace $0x80000046;
	[dreg:$0x1] =	wrdreg $0xFFFFFFFF  }
0xad: {  	s28 =	simm.s32 $_size_execute0_lowered;
	s3 =	sadd.s32 s3, s5;
	[dreg:$0x0] =	wrdreg $0x0  }
0xae: {  	s5 =	sshll.u32 s28, $0x1;
	[dreg:$0x2] =	wrdreg s3  }
0xaf: {  	[dreg:$0x3] =	wrdreg s5  }
0xb0: {  	[dreg:$0x4] =	wrdreg $0xC0  }
0xb1: {  	_ =	task [dreg:s7], $0x5FFFF  }
0xb2: {  	[dreg:$0x1] =	wrdreg $0xFFFFFFFF  }
0xb3: {  	[dreg:$0x0] =	wrdreg $0x60  }
0xb4: {  	[dreg:$0x2] =	wrdreg s16  }
0xb5: {  	[dreg:$0x3] =	wrdreg s24  }
0xb6: {  	[dreg:$0x4] =	wrdreg $0x0  }
0xb7: {  	[dreg:$0x5] =	wrdreg $0x9  }
0xb8: {  	_ =	task.clear_ibuf [dreg:s7], $0x6FFFF;
	_ =	strace $0x90000046  }
0xb9: {  	s29 =	simm.s32 $0x9;
	_ =	strace $0x80000048  }
0xba: {  	_ =	swait.ge [sflag:s29], $0x1  }
0xbb: {  	[sflag:s29] =	ssyncadd.s32 $0xFFFFFFFF  }
0xbc: {  	_ =	strace $0x90000048  }
0xbd: {  	_ =	sfence  }
0xbe: {  	s30 =	sld [smem:$0x0];
	_ =	sdelay $0x2  }
0xbf: {  	s31 =	sshll.u32 s1, $0xD;
	s1 =	sshrl.u32 s1, $0x2  }
0xc0: {  	s3 =	sand.u32 $0x4000, s31;
	s1 =	sadd.s32 s1, s30  }
0xc1: {  	s0 =	sor.u32 s3, s0;
	s1 =	sshll.u32 s1, $0x11  }
0xc2: {  	s0 =	sor.u32 s1, s0  }
0xc3: {  	s0 =	sadd.s32 $0x8F2B, s0  }
0xc4: {  	[sflag:s0] =	ssyncadd.remote.s32 $0x1  }
0xc5: {  	_ =	sfence.sel $0xFFFF  }
0xc6: {  	[dreg:$0x0] =	wrdreg $0xFFFFFFFF;
	(pc) =	sbr.abs _section_cstart, $3  }
0xc7: {  	[dreg:$0x1] =	wrdreg $0xFFFFFFFF  }
0xc8: {  	_ =	task.clear_ibuf [dreg:s7], $0x2FFFF;
	_ =	strace $0x9FFFFFFF  }
0xc9: {  	(tm) =	ssettm $0x7FFFFFFF  }
tec
execute0_lowered:
.L_overlay_start_1:
0x0: {  	(tag) =	ssettag $0x1  }
0x1: {  	s1 =	rddreg [dreg:$0x0]  }
0x2: {  	s6 =	rddreg [dreg:$0x1]  }
0x3: {  	s3 =	rddreg [dreg:$0x2]  }
0x4: {  	s0 =	rddreg [dreg:$0x3]  }
0x5: {  	s4 =	simm.s32 $0x0;
	s5 =	srdreg.scid;
	s2 =	stileid.u32  }
0x6: {  	s14 =	simm.s32 $0x280;
	s15 =	simm.s32 $0x300;
	s16 =	simm.s32 $0x1  }
0x7: {  	s17 =	simm.s32 $0x80;
	s18 =	simm.s32 $0x380;
	s19 =	simm.s32 $0x2  }
0x8: {  	s20 =	simm.s32 $0x20;
	s21 =	simm.s32 $0x10;
	s26 =	smul.u32 $0x500, s2  }
0x9: {  	s22 =	simm.s32 $0x0;
	[smem:$0x7FF] =	sst s4;
	s10 =	smul.u32 $0xA00, s2  }
0xa: {  	s7 =	sand.u32 $0x1, s5;
	s5 =	sadd.s32 $0x2800, s6;
	s12 =	smul.u32 $0x2780, s2  }
0xb: {  	s29 =	sshll.u32 s2, $0x6;
	_ =	strace $0x80000047;
	s8 =	sshll.u32 s7, $0x7  }
0xc: {  	s9 =	sshll.u32 s7, $0x4;
	s28 =	ssub.s32 $0x2, s7;
	s7 =	smul.u32 $0x27800, s7  }
0xd: {  	s8 =	sor.u32 s8, s26;
	s9 =	sor.u32 s2, s9;
	s11 =	sshrl.u32 s28, $0x1  }
0xe: {  	s10 =	sshrl.u32 s10, $0x2;
	s8 =	sshrl.u32 s8, $0x3;
	s9 =	smul.u32 $0x2780, s9  }
0xf: {  	s11 =	ssub.s32 s28, s11;
	s13 =	sadd.s32 s10, s3;
	s30 =	sadd.s32 s12, s7  }
0x10: {  	s8 =	sadd.s32 s8, s6;
	s6 =	sor.u32 $0x1C03, s29;
	s12 =	sadd.s32 $0x80, s30  }
0x11: {  	s10 =	sadd.s32 $0x100, s30;
	s9 =	sshrl.u32 s9, $0x3;
	s8 =	sadd.s32 $0x2A00, s8  }
0x12: {  	s31 =	sshrl.u32 s12, $0x3;
	s12 =	sshrl.u32 s13, $0x3;
	s13 =	simm.s32 $0x3  }
0x13: {  	v0 =	vimm.f32 $1.000000000e+00;
	s7 =	sadd.s32 s1, s9;
	s9 =	smax.u32 s11, $0x1;
	s11 =	sadd.s32 s31, s1  }
.LBB2_1:
0x14: {  	[spmem:s12], [sflag:s6] =	dma.local [hbm:s5], $0x50  }
0x15: {  	_ =	swait.ge [sflag:s13], $0x50  }
0x16: {  	[sflag:s13] =	ssyncset.done $0x0  }
0x17: {  	[sflag:s13] =	ssyncadd.s32 $0xFFFFFFB0  }
0x18: {  	[tilespmem:$0x380] =	vst v0  }
0x19: {  	[tilespmem:$0x390] =	vst v0  }
0x1a: {  	[tilespmem:$0x3A0] =	vst v0  }
0x1b: {  	[tilespmem:$0x3B0] =	vst v0  }
0x1c: {  	[tilespmem:$0x3C0] =	vst v0  }
0x1d: {  	[tilespmem:$0x3D0] =	vst v0  }
0x1e: {  	[tilespmem:$0x3E0] =	vst v0  }
0x1f: {  	[tilespmem:$0x3F0] =	vst v0  }
0x20: {  	[bflag:$0x0] =	sbarrier.arrive $0xFFFF  }
0x21: {  	[tilespmem:s14], [sflag:$0x1] =	stream.linear.gather [hbm4b:s7+s4], $0x80, $0x38;
	[tilespmem:$0x400] =	vst v63  }
0x22: {  	s23 =	sadd.s32 $0x0, s11  }
0x23: {  	[tilespmem:s15], [sflag:$0x2] =	stream.linear.gather [hbm4b:s23+s4], $0x80, $0x38;
	[tilespmem:$0x400] =	vst v63  }
0x24: {  	_ =	swait.ge [sflag:s16], $0x80  }
0x25: {  	[sflag:s16] =	ssyncset.done $0x0  }
0x26: {  	[sflag:s16] =	ssyncadd.s32 $0xFFFFFF80  }
0x27: {  	[spmem:s3] =	stream.indirect.scatter.add.f32 [tilespmem:s18], [sflag:$0x3], $0x1, s14, s17, $0xb8;
	[tilespmem:$0x400] =	vst v63  }
0x28: {  	_ =	swait.ge [sflag:s13], $0x80  }
0x29: {  	s31 =	sshrl.u32 s10, $0x3;
	[sflag:s13] =	ssyncset.done $0x0  }
0x2a: {  	s23 =	sadd.s32 s1, s31;
	[sflag:s13] =	ssyncadd.s32 $0xFFFFFF80  }
0x2b: {  	[tilespmem:s14], [sflag:$0x1] =	stream.linear.gather [hbm4b:s23+s4], $0x80, $0x38;
	[tilespmem:$0x400] =	vst v63  }
0x2c: {  	_ =	swait.ge [sflag:s19], $0x80  }
0x2d: {  	[sflag:s19] =	ssyncset.done $0x0  }
0x2e: {  	[sflag:s19] =	ssyncadd.s32 $0xFFFFFF80  }
0x2f: {  	[spmem:s3] =	stream.indirect.scatter.add.f32 [tilespmem:s18], [sflag:$0x3], $0x1, s15, s17, $0xb8;
	[tilespmem:$0x400] =	vst v63  }
0x30: {  	s24 =	simm.s32 $0x20;
	_ =	swait.ge [sflag:s13], $0x80  }
0x31: {  	s25 =	simm.s32 $0x40;
	s23 =	sadd.s32 $0x100, s10;
	[sflag:s13] =	ssyncset.done $0x0  }
.LBB2_2:
0x32: {  	s26 =	sadd.s32 s24, s11  }
0x33: {  	[sflag:s13] =	ssyncadd.s32 $0xFFFFFF80;
	s24 =	smov.u32 s25;
	s28 =	sadd.s32 $0x20, s25  }
0x34: {  	[tilespmem:s15], [sflag:$0x2] =	stream.linear.gather [hbm4b:s26+s4], $0x80, $0x38;
	[tilespmem:$0x400] =	vst v63  }
0x35: {  	p0 =	sne.s32 s25, $0x4C0;
	_ =	swait.ge [sflag:s16], $0x80  }
0x36: {  	[sflag:s16] =	ssyncset.done $0x0  }
0x37: {  	[sflag:s16] =	ssyncadd.s32 $0xFFFFFF80  }
0x38: {  	[spmem:s3] =	stream.indirect.scatter.add.f32 [tilespmem:s18], [sflag:$0x3], $0x1, s14, s17, $0xb8;
	[tilespmem:$0x400] =	vst v63  }
0x39: {  	_ =	swait.ge [sflag:s13], $0x80  }
0x3a: {  	s25 =	sshrl.u32 s23, $0x3;
	[sflag:s13] =	ssyncset.done $0x0  }
0x3b: {  	s25 =	sadd.s32 s1, s25;
	[sflag:s13] =	ssyncadd.s32 $0xFFFFFF80  }
0x3c: {  	[tilespmem:s14], [sflag:$0x1] =	stream.linear.gather [hbm4b:s25+s4], $0x80, $0x38;
	[tilespmem:$0x400] =	vst v63  }
0x3d: {  	_ =	swait.ge [sflag:s19], $0x80  }
.Ltmp0:
0x3e: {  	[sflag:s19] =	ssyncset.done $0x0;
	(pc) =	sbr.rel @p0 .LBB2_2-.Ltmp0, $4  }
0x3f: {  	[sflag:s19] =	ssyncadd.s32 $0xFFFFFF80  }
0x40: {  	[spmem:s3] =	stream.indirect.scatter.add.f32 [tilespmem:s18], [sflag:$0x3], $0x1, s15, s17, $0xb8;
	[tilespmem:$0x400] =	vst v63  }
0x41: {  	_ =	swait.ge [sflag:s13], $0x80  }
0x42: {  	s23 =	sadd.s32 $0x100, s23;
	s25 =	smov.u32 s28;
	[sflag:s13] =	ssyncset.done $0x0  }
0x43: {  	s24 =	sadd.s32 s24, s11;
	[sflag:s13] =	ssyncadd.s32 $0xFFFFFF80  }
0x44: {  	[tilespmem:s15], [sflag:$0x2] =	stream.linear.gather [hbm4b:s24+s4], $0x80, $0x38;
	[tilespmem:$0x400] =	vst v63  }
0x45: {  	_ =	swait.ge [sflag:s16], $0x80  }
0x46: {  	[sflag:s16] =	ssyncset.done $0x0  }
0x47: {  	[sflag:s16] =	ssyncadd.s32 $0xFFFFFF80  }
0x48: {  	[spmem:s3] =	stream.indirect.scatter.add.f32 [tilespmem:s18], [sflag:$0x3], $0x1, s14, s17, $0xb8;
	[tilespmem:$0x400] =	vst v63  }
0x49: {  	_ =	swait.ge [sflag:s13], $0x80  }
0x4a: {  	s23 =	sshrl.u32 s23, $0x3;
	[sflag:s13] =	ssyncset.done $0x0  }
0x4b: {  	s23 =	sadd.s32 s1, s23;
	[sflag:s13] =	ssyncadd.s32 $0xFFFFFF80  }
0x4c: {  	[tilespmem:s14], [sflag:$0x1] =	stream.linear.gather [hbm4b:s23+s4], $0x80, $0x38;
	[tilespmem:$0x400] =	vst v63  }
0x4d: {  	_ =	swait.ge [sflag:s19], $0x80  }
0x4e: {  	[sflag:s19] =	ssyncset.done $0x0  }
0x4f: {  	[sflag:s19] =	ssyncadd.s32 $0xFFFFFF80  }
0x50: {  	[spmem:s3] =	stream.indirect.scatter.add.f32 [tilespmem:s18], [sflag:$0x3], $0x1, s15, s17, $0xb8;
	[tilespmem:$0x400] =	vst v63  }
0x51: {  	_ =	swait.ge [sflag:s13], $0x80  }
0x52: {  	[sflag:s13] =	ssyncset.done $0x0  }
0x53: {  	[sflag:s13] =	ssyncadd.s32 $0xFFFFFF80  }
0x54: {  	_ =	swait.ge [sflag:s16], $0x80  }
0x55: {  	[sflag:s16] =	ssyncset.done $0x0  }
0x56: {  	[sflag:s16] =	ssyncadd.s32 $0xFFFFFF80  }
0x57: {  	[spmem:s3] =	stream.indirect.scatter.add.f32 [tilespmem:s18], [sflag:$0x3], $0x1, s14, s17, $0xb8;
	[tilespmem:$0x400] =	vst v63  }
0x58: {  	_ =	swait.ge [sflag:s13], $0x80  }
0x59: {  	s22 =	sadd.s32 $0x1, s22;
	[sflag:s13] =	ssyncset.done $0x0  }
0x5a: {  	p0 =	sne.s32 s22, s9;
	[sflag:s13] =	ssyncadd.s32 $0xFFFFFF80  }
.Ltmp1:
0x5b: {  	[bflag:$0x0] =	sbarrier.arrive $0xFFFF;
	(pc) =	sbr.rel @p0 .LBB2_1-.Ltmp1, $4  }
0x5c: {  	[hbm:s8@s20], [sflag:s6] =	dma.strided [spmem:s12@s21], $0x50, s16, $0x10   }
0x5d: {  	_ =	swait.ge [sflag:s13], $0x50  }
0x5e: {  	[sflag:s13] =	ssyncset.done $0x0  }
0x5f: {  	[sflag:s13] =	ssyncadd.s32 $0xFFFFFFB0  }
0x60: {  	_ =	sfence.sel $0x180000  }
0x61: {  	[bflag:$0x0] =	sbarrier.arrive $0xFFFF  }
0x62: {  	p0 =	sne.s32 s2, $0x0;
	_ =	strace $0x90000047  }
0x63: {  	s0 =	sadd.s32 @!p0 $0x100000, s0;
	[bflag:$0x2] =	sbarrier.arrive $0xFFFF  }
0x64: {  	[sflag:s0] =	ssyncadd.tile.s32 @!p0 $0x1;
	_ =	shalt  }
.Lfunc_end2:
_tile_overlayer_lowered:
.L_overlay_start_2:
0x65: {  	(tag) =	ssettag $0x2  }
0x66: {  	s0 =	rddreg [dreg:$0x0];
	s2 =	stileid.u32  }
0x67: {  	s1 =	rddreg [dreg:$0x1];
	p0 =	sne.s32 s2, $0x0  }
0x68: {  	s3 =	rddreg [dreg:$0x2];
	[bflag:$0x3] =	sbarrier.arrive $0xFFFF;
	s2 =	simm.s32 @!p0 $0x1C03  }
0x69: {  	[timem:s3], [sflag:s2] =	dma.local @!p0 [hbm:s0], s1  }
0x6a: {  	s0 =	simm.s32 @!p0 $0x3  }
0x6b: {  	_ =	swait.ge @!p0 [sflag:s0], s1  }
0x6c: {  	s1 =	ssub.s32 @!p0 $0x0, s1;
	[sflag:s0] =	ssyncset.done @!p0 $0x0  }
0x6d: {  	[sflag:s0] =	ssyncadd.s32 @!p0 s1  }
0x6e: {  	[bflag:$0x3] =	sbarrier.arrive $0xFFFF  }
0x6f: {  	_ =	shalt  }

</sc_bundles>
